<compile_context>
chip_gen: v7x
topology: tpu7x:2x2x1
jax: 0.10.2.dev20260603
libtpu: 0.0.44.dev20260713+nightly
codegen_flags: <defaults>
</compile_context>

<pallas_src>
import functools

import jax
import jax.numpy as jnp
from jax import lax
from jax.experimental import pallas as pl
from jax.experimental.pallas import tpu as pltpu
from jax.experimental.pallas import tpu_sc as plsc

N = 10000
NP = 10240
NC, NS = 2, 16
NW = NC * NS
CHUNK = 128
NBUF = 8
ROUNDS = 10
CPT = NBUF * ROUNDS
EPAD = NW * CHUNK * CPT
R_SLOW = 10
R_FAST = 10
MAXR = R_FAST
RPT = NP // NS
BLK = 1000
GRID = N // BLK

_mesh = lambda: plsc.VectorSubcoreMesh(core_axis_name="c", subcore_axis_name="s")



@jax.jit
def _sc_degree(dst_pad):

    @functools.partial(
        pl.kernel,
        out_type=jax.ShapeDtypeStruct((NC, NP), jnp.float32),
        mesh=_mesh(),
        compiler_params=pltpu.CompilerParams(use_tc_tiling_on_sc=False),
        scratch_types=[
            pltpu.VMEM((2, NBUF, CHUNK), jnp.int32),
            pltpu.VMEM((CHUNK,), jnp.float32),
            pltpu.VMEM((RPT,), jnp.float32),
            pltpu.VMEM_SHARED((NP,), jnp.float32),
            pltpu.SemaphoreType.DMA,
            pltpu.SemaphoreType.DMA,
        ],
    )
    def k(dst_hbm, out_hbm, idxb, ones_v, zero_v, acc_sh, sem_i, sem_s):
        cid = lax.axis_index("c")
        sid = lax.axis_index("s")
        wid = cid * NS + sid

        pltpu.async_copy(dst_hbm.at[wid, 0], idxb.at[0], sem_i)
        for i in range(CHUNK // 16):
            ones_v[pl.ds(i * 16, 16)] = jnp.full((16,), 1.0, jnp.float32)
        for i in range(RPT // 16):
            zero_v[pl.ds(i * 16, 16)] = jnp.zeros((16,), jnp.float32)
        pltpu.sync_copy(zero_v, acc_sh.at[pl.ds(sid * RPT, RPT)])
        plsc.subcore_barrier()

        def body(g2, _):
            for par in range(2):
                g = g2 * 2 + par
                pltpu.make_async_copy(dst_hbm.at[wid, 0], idxb.at[par],
                                      sem_i).wait()
                pltpu.async_copy(dst_hbm.at[wid, g + 1], idxb.at[1 - par],
                                 sem_i)
                sds = [pltpu.async_copy(ones_v, acc_sh.at[idxb.at[par, b]],
                                        sem_s, add=True)
                       for b in range(NBUF)]
                for d_ in sds:
                    d_.wait()
            return ()

        lax.fori_loop(0, ROUNDS // 2, body, ())
        pltpu.make_async_copy(dst_hbm.at[wid, 0], idxb.at[0], sem_i).wait()
        plsc.subcore_barrier()
        pltpu.sync_copy(acc_sh.at[pl.ds(sid * RPT, RPT)],
                        out_hbm.at[cid, pl.ds(sid * RPT, RPT)])

    return k(dst_pad)


def _make_sc_aggregate(D, stage=True):

    @jax.jit
    def agg(rows, pairs):
        @functools.partial(
            pl.kernel,
            out_type=pltpu.HBM((NC, NP, D), jnp.float32),
            mesh=_mesh(),
            compiler_params=pltpu.CompilerParams(use_tc_tiling_on_sc=False),
            scratch_types=[
                pltpu.VMEM((2, NBUF, 2, CHUNK), jnp.int32),
                pltpu.VMEM((NBUF, CHUNK, D), jnp.float32),
                pltpu.VMEM((CHUNK, D), jnp.float32),
                (pltpu.VMEM_SHARED((N, D), jnp.float32) if stage
                 else pltpu.VMEM_SHARED((8, D), jnp.float32)),
                pltpu.VMEM_SHARED((NP, D), jnp.float32),
                pltpu.SemaphoreType.DMA,
                pltpu.SemaphoreType.DMA,
                pltpu.SemaphoreType.DMA,
            ],
        )
        def k(rows_hbm, pairs_hbm, out_hbm, idxb, rows_v, zero_v, tab_sh,
              acc_sh, sem_i, sem_g, sem_s):
            cid = lax.axis_index("c")
            sid = lax.axis_index("s")
            wid = cid * NS + sid

            pltpu.async_copy(pairs_hbm.at[wid, 0], idxb.at[0], sem_i)
            if stage:
                pltpu.sync_copy(rows_hbm.at[pl.ds(sid * (N // NS), N // NS)],
                                tab_sh.at[pl.ds(sid * (N // NS), N // NS)])
            gather_src = tab_sh if stage else rows_hbm

            def zfill(i, _):
                for c in range(D // 16):
                    zero_v[i, pl.ds(c * 16, 16)] = jnp.zeros((16,), jnp.float32)
                return ()

            lax.fori_loop(0, CHUNK, zfill, ())

            def zcopy(r, _):
                pltpu.sync_copy(zero_v, acc_sh.at[pl.ds(sid * RPT + r * CHUNK, CHUNK)])
                return ()

            lax.fori_loop(0, RPT // CHUNK, zcopy, ())
            plsc.subcore_barrier()

            def body(g2, _):
                for par in range(2):
                    g = g2 * 2 + par
                    pltpu.make_async_copy(pairs_hbm.at[wid, 0], idxb.at[par],
                                          sem_i).wait()
                    pltpu.async_copy(pairs_hbm.at[wid, g + 1], idxb.at[1 - par],
                                     sem_i)
                    gds = [pltpu.async_copy(gather_src.at[idxb.at[par, b, 0]],
                                            rows_v.at[b], sem_g)
                           for b in range(NBUF)]
                    sds = []
                    for b in range(NBUF):
                        gds[b].wait()
                        sds.append(pltpu.async_copy(
                            rows_v.at[b], acc_sh.at[idxb.at[par, b, 1]],
                            sem_s, add=True))
                    for d_ in sds:
                        d_.wait()
                return ()

            nrounds = jnp.where(cid == 0, R_FAST, R_SLOW)
            lax.fori_loop(0, nrounds // 2, body, ())
            pltpu.make_async_copy(pairs_hbm.at[wid, 0], idxb.at[0],
                                  sem_i).wait()
            plsc.subcore_barrier()
            pltpu.sync_copy(acc_sh.at[pl.ds(sid * RPT, RPT)],
                            out_hbm.at[cid, pl.ds(sid * RPT, RPT)])

        return k(rows, pairs)

    return agg


_sc_agg32 = _make_sc_aggregate(32, stage=True)



def _dinv(dp_blk):
    return lax.rsqrt(dp_blk[:, 0:1] + dp_blk[:, 1:2] + 1.0)


def _tc1_body(x_ref, w_ref, dp_ref, o_ref):
    dinv = _dinv(dp_ref[...][:N])
    h = jnp.dot(x_ref[...], w_ref[...], preferred_element_type=jnp.float32)
    o_ref[...] = h * dinv


@jax.jit
def _tc1(x_p, W1, dp_t):
    return pl.pallas_call(
        _tc1_body,
        out_shape=jax.ShapeDtypeStruct((N, 32), jnp.float32),
    )(x_p, W1, dp_t)


def _tc2_body(a_ref, hs_ref, dp_ref, b1_ref, w2_ref, lo_ref, hi_ref):
    dinv = _dinv(dp_ref[...][:N])
    pre = dinv * (a_ref[0, :N] + a_ref[1, :N] + hs_ref[...]) + b1_ref[...]
    act = jnp.where(pre > 0, pre, jnp.exp(jnp.minimum(pre, 0.0)) - 1.0)
    g = jnp.dot(act, w2_ref[...], preferred_element_type=jnp.float32)
    gs = g * dinv
    lo_ref[...] = gs[:, :32]
    hi_ref[...] = gs[:, 32:]


@jax.jit
def _tc2(ap1, hs1, dp_t, b1r, W2):
    return pl.pallas_call(
        _tc2_body,
        out_shape=[jax.ShapeDtypeStruct((N, 32), jnp.float32),
                   jax.ShapeDtypeStruct((N, 32), jnp.float32)],
    )(ap1, hs1, dp_t, b1r, W2)


def _tc3_body(alo_ref, ahi_ref, lo_ref, hi_ref, dp_ref, b2_ref, o_ref):
    dinv = _dinv(dp_ref[...][:N])
    lo = alo_ref[0, :N] + alo_ref[1, :N] + lo_ref[...]
    hi = ahi_ref[0, :N] + ahi_ref[1, :N] + hi_ref[...]
    o_ref[...] = dinv * jnp.concatenate([lo, hi], axis=1) + b2_ref[...]


@jax.jit
def _tc3(ap_lo, ap_hi, gs_lo, gs_hi, dp_t, b2r):
    return pl.pallas_call(
        _tc3_body,
        out_shape=jax.ShapeDtypeStruct((N, 64), jnp.float32),
    )(ap_lo, ap_hi, gs_lo, gs_hi, dp_t, b2r)



def kernel(x, edge_index, W1, b1, W2, b2):
    e = edge_index.shape[1]
    src_pad = jnp.concatenate(
        [edge_index[0], jnp.zeros((EPAD - e,), jnp.int32)])
    dst_pad = jnp.concatenate(
        [edge_index[1], N + jnp.arange(EPAD - e, dtype=jnp.int32) % (NP - N)])

    def split(v):
        c = v.reshape(NW * CPT, CHUNK)
        nslow = NS * R_SLOW * NBUF
        s = c[:nslow].reshape(NS, R_SLOW, NBUF, CHUNK)
        f = c[nslow:].reshape(NS, R_FAST, NBUF, CHUNK)
        s = jnp.pad(s, ((0, 0), (0, MAXR + 1 - R_SLOW), (0, 0), (0, 0)))
        f = jnp.pad(f, ((0, 0), (0, 1), (0, 0), (0, 0)))
        return jnp.concatenate([f, s], axis=0)

    pairs = jnp.stack([split(src_pad), split(dst_pad)], axis=3)
    dchunks = jnp.pad(dst_pad.reshape(NW, ROUNDS, NBUF, CHUNK),
                      ((0, 0), (0, 1), (0, 0), (0, 0)))

    deg_parts = _sc_degree(dchunks)
    dp_t = deg_parts.T

    hs1 = _tc1(x, W1, dp_t)
    ap1 = _sc_agg32(hs1, pairs)
    gs_lo, gs_hi = _tc2(ap1, hs1, dp_t, b1.reshape(1, 32), W2)
    ap_lo = _sc_agg32(gs_lo, pairs)
    ap_hi = _sc_agg32(gs_hi, pairs)
    return _tc3(ap_lo, ap_hi, gs_lo, gs_hi, dp_t, b2.reshape(1, 64))

# --- scband reference (transcript-rebuilt; emitter-appended) ---
"""Pipeline reference for scband-two-layer-model-78159814852847 (READ-ONLY COPY).

The authoritative reference and input builder live on the scoring server;
editing this copy changes nothing except your own understanding.
"""

import jax, jax.numpy as jnp
import numpy as np

N_NODES = 10000
N_EDGES = 320000
F_IN = 128
F_HID = 32
F_OUT = 64


def gcn_conv(x, edge_index, W, b):
    # GCNConv: add self-loops, symmetric degree normalization, scatter-add aggregation
    n = x.shape[0]
    loops = jnp.arange(n, dtype=edge_index.dtype)
    src = jnp.concatenate([edge_index[0], loops])
    dst = jnp.concatenate([edge_index[1], loops])
    deg = jnp.zeros((n,), dtype=x.dtype).at[dst].add(1.0)
    dinv = jnp.where(deg > 0, jax.lax.rsqrt(jnp.maximum(deg, 1e-12)), 0.0)
    norm = dinv[src] * dinv[dst]
    h = x @ W
    msg = h[src] * norm[:, None]
    out = jnp.zeros((n, W.shape[1]), dtype=x.dtype).at[dst].add(msg)
    return out + b


def setup_inputs(seed: int = 0) -> dict:
    key = jax.random.key(seed)
    k1, k2, k3, k4, k5, k6 = jax.random.split(key, 6)
    x = jax.random.normal(k1, (N_NODES, F_IN), dtype=jnp.float32)
    edge_index = jax.random.randint(k2, (2, N_EDGES), 0, N_NODES, dtype=jnp.int32)
    # glorot-style init for GCN layer weights
    W1 = jax.random.normal(k3, (F_IN, F_HID), dtype=jnp.float32) * np.sqrt(2.0 / (F_IN + F_HID))
    b1 = jnp.zeros((F_HID,), dtype=jnp.float32)
    W2 = jax.random.normal(k4, (F_HID, F_OUT), dtype=jnp.float32) * np.sqrt(2.0 / (F_HID + F_OUT))
    b2 = jnp.zeros((F_OUT,), dtype=jnp.float32)
    return {"x": x, "edge_index": edge_index, "W1": W1, "b1": b1, "W2": W2, "b2": b2}


def reference(x, edge_index, W1, b1, W2, b2):
    # conv1: GCNConv(feature_num, 32)
    h = gcn_conv(x, edge_index, W1, b1)
    h = jax.nn.elu(h)
    # conv2: SampleModel(32, output_num) in eval mode (drop/attenuate inactive,
    # candidate_type=0, mask=None) behaves as a GCN-style propagation layer
    out = gcn_conv(h, edge_index, W2, b2)
    return out

if __name__ == "__main__":
    import jax
    _d = setup_inputs()
    print(jax.jit(kernel)(*tuple(_d.values())))

</pallas_src>

<mosaic_0001>
#map = affine_map<(d0, d1) -> (0, 0, 0, 0)>
#map1 = affine_map<(d0, d1) -> (0, 0)>
module attributes {stable_mosaic.version = 14 : i64} {
  func.func @k(%arg0: i32, %arg1: i32, %arg2: memref<32x11x8x128xi32, #tpu.memory_space<hbm>>, %arg3: memref<2x10240xf32, #tpu.memory_space<hbm>>, %arg4: memref<2x8x128xi32, #tpu.memory_space<vmem>>, %arg5: memref<128xf32, #tpu.memory_space<vmem>>, %arg6: memref<640xf32, #tpu.memory_space<vmem>>, %arg7: memref<10240xf32, #tpu.memory_space<vmem_shared>>, %arg8: memref<!tpu.dma_semaphore, #tpu.memory_space<semaphore_mem>>, %arg9: memref<!tpu.dma_semaphore, #tpu.memory_space<semaphore_mem>>) attributes {dimension_semantics = [#tpu.dimension_semantics<core_parallel>, #tpu.dimension_semantics<subcore_parallel>], iteration_bounds = array<i64: 2, 16>, scalar_prefetch = 0 : i64, scratch_operands = 6 : i64, tpu.core_type = #tpu.core_type<sc_vector_subcore>, window_params = [{transform_indices = #map}, {transform_indices = #map1}]} {
    %mul3A = arith.constant 16 : i32
    %mul3A_0 = arith.muli %arg0, %mul3A : i32
    %add3A = arith.addi %mul3A_0, %arg1 : i32
    %dma_start3A = arith.constant 0 : i32
    %dma_start3A_1 = arith.constant 0 : i32
    %dma_start3A_2 = arith.constant 0 : i32
    %dma_start3A_3 = arith.constant 0 : i32
    %dma_start3A_4 = tpu.memref_slice %arg4[%dma_start3A_1, %dma_start3A_2, %dma_start3A_3] : memref<2x8x128xi32, #tpu.memory_space<vmem>> -> memref<1x8x128xi32, #tpu.memory_space<vmem>>
    %dma_start3A_5 = tpu.memref_squeeze %dma_start3A_4 : memref<1x8x128xi32, #tpu.memory_space<vmem>> -> memref<8x128xi32, #tpu.memory_space<vmem>>
    %dma_start3A_6 = arith.constant 0 : i32
    %dma_start3A_7 = arith.constant 0 : i32
    %dma_start3A_8 = tpu.memref_slice %arg2[%add3A, %dma_start3A, %dma_start3A_6, %dma_start3A_7] : memref<32x11x8x128xi32, #tpu.memory_space<hbm>> -> memref<1x1x8x128xi32, #tpu.memory_space<hbm>>
    %dma_start3A_9 = tpu.memref_squeeze %dma_start3A_8 : memref<1x1x8x128xi32, #tpu.memory_space<hbm>> -> memref<8x128xi32, #tpu.memory_space<hbm>>
    %dma_start3A_10 = arith.constant 0 : i32
    %dma_start3A_11 = arith.constant 0 : i32
    %dma_start3A_12 = tpu.memref_slice %arg4[%dma_start3A_1, %dma_start3A_10, %dma_start3A_11] : memref<2x8x128xi32, #tpu.memory_space<vmem>> -> memref<1x8x128xi32, #tpu.memory_space<vmem>>
    %dma_start3A_13 = tpu.memref_squeeze %dma_start3A_12 : memref<1x8x128xi32, #tpu.memory_space<vmem>> -> memref<8x128xi32, #tpu.memory_space<vmem>>
    %dma_start3A_14 = arith.constant 0 : i32
    %dma_start3A_15 = arith.constant 0 : i32
    %dma_start3A_16 = tpu.memref_slice %arg2[%add3A, %dma_start3A, %dma_start3A_14, %dma_start3A_15] : memref<32x11x8x128xi32, #tpu.memory_space<hbm>> -> memref<1x1x8x128xi32, #tpu.memory_space<hbm>>
    %dma_start3A_17 = tpu.memref_squeeze %dma_start3A_16 : memref<1x1x8x128xi32, #tpu.memory_space<hbm>> -> memref<8x128xi32, #tpu.memory_space<hbm>>
    tpu.enqueue_dma source(%dma_start3A_17 : memref<8x128xi32, #tpu.memory_space<hbm>>) target(%dma_start3A_13 : memref<8x128xi32, #tpu.memory_space<vmem>>) target_semaphore(%arg8 : memref<!tpu.dma_semaphore, #tpu.memory_space<semaphore_mem>>)
    %broadcast_in_dim3A = arith.constant 1.000000e+00 : f32
    %broadcast_in_dim3A_18 = vector.broadcast %broadcast_in_dim3A : f32 to vector<16xf32>
    %swap3A = arith.constant 0 : index
    %swap3A_19 = tpu.vector_load %arg5[%swap3A] {strides = array<i32>} : memref<128xf32, #tpu.memory_space<vmem>>, vector<16xf32>,
    %swap3A_20 = vector.shape_cast %swap3A_19 : vector<16xf32> to vector<16xf32>
    %swap3A_21 = vector.shape_cast %broadcast_in_dim3A_18 : vector<16xf32> to vector<16xf32>
    tpu.vector_store %arg5[%swap3A], %swap3A_21 {strides = array<i32>} : memref<128xf32, #tpu.memory_space<vmem>>, vector<16xf32>,
    %broadcast_in_dim3A_22 = arith.constant 1.000000e+00 : f32
    %broadcast_in_dim3A_23 = vector.broadcast %broadcast_in_dim3A_22 : f32 to vector<16xf32>
    %swap3A_24 = arith.constant 16 : index
    %swap3A_25 = tpu.vector_load %arg5[%swap3A_24] {strides = array<i32>} : memref<128xf32, #tpu.memory_space<vmem>>, vector<16xf32>,
    %swap3A_26 = vector.shape_cast %swap3A_25 : vector<16xf32> to vector<16xf32>
    %swap3A_27 = vector.shape_cast %broadcast_in_dim3A_23 : vector<16xf32> to vector<16xf32>
    tpu.vector_store %arg5[%swap3A_24], %swap3A_27 {strides = array<i32>} : memref<128xf32, #tpu.memory_space<vmem>>, vector<16xf32>,
    %broadcast_in_dim3A_28 = arith.constant 1.000000e+00 : f32
    %broadcast_in_dim3A_29 = vector.broadcast %broadcast_in_dim3A_28 : f32 to vector<16xf32>
    %swap3A_30 = arith.constant 32 : index
    %swap3A_31 = tpu.vector_load %arg5[%swap3A_30] {strides = array<i32>} : memref<128xf32, #tpu.memory_space<vmem>>, vector<16xf32>,
    %swap3A_32 = vector.shape_cast %swap3A_31 : vector<16xf32> to vector<16xf32>
    %swap3A_33 = vector.shape_cast %broadcast_in_dim3A_29 : vector<16xf32> to vector<16xf32>
    tpu.vector_store %arg5[%swap3A_30], %swap3A_33 {strides = array<i32>} : memref<128xf32, #tpu.memory_space<vmem>>, vector<16xf32>,
    %broadcast_in_dim3A_34 = arith.constant 1.000000e+00 : f32
    %broadcast_in_dim3A_35 = vector.broadcast %broadcast_in_dim3A_34 : f32 to vector<16xf32>
    %swap3A_36 = arith.constant 48 : index
    %swap3A_37 = tpu.vector_load %arg5[%swap3A_36] {strides = array<i32>} : memref<128xf32, #tpu.memory_space<vmem>>, vector<16xf32>,
    %swap3A_38 = vector.shape_cast %swap3A_37 : vector<16xf32> to vector<16xf32>
    %swap3A_39 = vector.shape_cast %broadcast_in_dim3A_35 : vector<16xf32> to vector<16xf32>
    tpu.vector_store %arg5[%swap3A_36], %swap3A_39 {strides = array<i32>} : memref<128xf32, #tpu.memory_space<vmem>>, vector<16xf32>,
    %broadcast_in_dim3A_40 = arith.constant 1.000000e+00 : f32
    %broadcast_in_dim3A_41 = vector.broadcast %broadcast_in_dim3A_40 : f32 to vector<16xf32>
    %swap3A_42 = arith.constant 64 : index
    %swap3A_43 = tpu.vector_load %arg5[%swap3A_42] {strides = array<i32>} : memref<128xf32, #tpu.memory_space<vmem>>, vector<16xf32>,
    %swap3A_44 = vector.shape_cast %swap3A_43 : vector<16xf32> to vector<16xf32>
    %swap3A_45 = vector.shape_cast %broadcast_in_dim3A_41 : vector<16xf32> to vector<16xf32>
    tpu.vector_store %arg5[%swap3A_42], %swap3A_45 {strides = array<i32>} : memref<128xf32, #tpu.memory_space<vmem>>, vector<16xf32>,
    %broadcast_in_dim3A_46 = arith.constant 1.000000e+00 : f32
    %broadcast_in_dim3A_47 = vector.broadcast %broadcast_in_dim3A_46 : f32 to vector<16xf32>
    %swap3A_48 = arith.constant 80 : index
    %swap3A_49 = tpu.vector_load %arg5[%swap3A_48] {strides = array<i32>} : memref<128xf32, #tpu.memory_space<vmem>>, vector<16xf32>,
    %swap3A_50 = vector.shape_cast %swap3A_49 : vector<16xf32> to vector<16xf32>
    %swap3A_51 = vector.shape_cast %broadcast_in_dim3A_47 : vector<16xf32> to vector<16xf32>
    tpu.vector_store %arg5[%swap3A_48], %swap3A_51 {strides = array<i32>} : memref<128xf32, #tpu.memory_space<vmem>>, vector<16xf32>,
    %broadcast_in_dim3A_52 = arith.constant 1.000000e+00 : f32
    %broadcast_in_dim3A_53 = vector.broadcast %broadcast_in_dim3A_52 : f32 to vector<16xf32>
    %swap3A_54 = arith.constant 96 : index
    %swap3A_55 = tpu.vector_load %arg5[%swap3A_54] {strides = array<i32>} : memref<128xf32, #tpu.memory_space<vmem>>, vector<16xf32>,
    %swap3A_56 = vector.shape_cast %swap3A_55 : vector<16xf32> to vector<16xf32>
    %swap3A_57 = vector.shape_cast %broadcast_in_dim3A_53 : vector<16xf32> to vector<16xf32>
    tpu.vector_store %arg5[%swap3A_54], %swap3A_57 {strides = array<i32>} : memref<128xf32, #tpu.memory_space<vmem>>, vector<16xf32>,
    %broadcast_in_dim3A_58 = arith.constant 1.000000e+00 : f32
    %broadcast_in_dim3A_59 = vector.broadcast %broadcast_in_dim3A_58 : f32 to vector<16xf32>
    %swap3A_60 = arith.constant 112 : index
    %swap3A_61 = tpu.vector_load %arg5[%swap3A_60] {strides = array<i32>} : memref<128xf32, #tpu.memory_space<vmem>>, vector<16xf32>,
    %swap3A_62 = vector.shape_cast %swap3A_61 : vector<16xf32> to vector<16xf32>
    %swap3A_63 = vector.shape_cast %broadcast_in_dim3A_59 : vector<16xf32> to vector<16xf32>
    tpu.vector_store %arg5[%swap3A_60], %swap3A_63 {strides = array<i32>} : memref<128xf32, #tpu.memory_space<vmem>>, vector<16xf32>,
    %broadcast_in_dim3A_64 = arith.constant 0.000000e+00 : f32
    %broadcast_in_dim3A_65 = vector.broadcast %broadcast_in_dim3A_64 : f32 to vector<16xf32>
    %swap3A_66 = arith.constant 0 : index
    %swap3A_67 = tpu.vector_load %arg6[%swap3A_66] {strides = array<i32>} : memref<640xf32, #tpu.memory_space<vmem>>, vector<16xf32>,
    %swap3A_68 = vector.shape_cast %swap3A_67 : vector<16xf32> to vector<16xf32>
    %swap3A_69 = vector.shape_cast %broadcast_in_dim3A_65 : vector<16xf32> to vector<16xf32>
    tpu.vector_store %arg6[%swap3A_66], %swap3A_69 {strides = array<i32>} : memref<640xf32, #tpu.memory_space<vmem>>, vector<16xf32>,
    %broadcast_in_dim3A_70 = arith.constant 0.000000e+00 : f32
    %broadcast_in_dim3A_71 = vector.broadcast %broadcast_in_dim3A_70 : f32 to vector<16xf32>
    %swap3A_72 = arith.constant 16 : index
    %swap3A_73 = tpu.vector_load %arg6[%swap3A_72] {strides = array<i32>} : memref<640xf32, #tpu.memory_space<vmem>>, vector<16xf32>,
    %swap3A_74 = vector.shape_cast %swap3A_73 : vector<16xf32> to vector<16xf32>
    %swap3A_75 = vector.shape_cast %broadcast_in_dim3A_71 : vector<16xf32> to vector<16xf32>
    tpu.vector_store %arg6[%swap3A_72], %swap3A_75 {strides = array<i32>} : memref<640xf32, #tpu.memory_space<vmem>>, vector<16xf32>,
    %broadcast_in_dim3A_76 = arith.constant 0.000000e+00 : f32
    %broadcast_in_dim3A_77 = vector.broadcast %broadcast_in_dim3A_76 : f32 to vector<16xf32>
    %swap3A_78 = arith.constant 32 : index
    %swap3A_79 = tpu.vector_load %arg6[%swap3A_78] {strides = array<i32>} : memref<640xf32, #tpu.memory_space<vmem>>, vector<16xf32>,
    %swap3A_80 = vector.shape_cast %swap3A_79 : vector<16xf32> to vector<16xf32>
    %swap3A_81 = vector.shape_cast %broadcast_in_dim3A_77 : vector<16xf32> to vector<16xf32>
    tpu.vector_store %arg6[%swap3A_78], %swap3A_81 {strides = array<i32>} : memref<640xf32, #tpu.memory_space<vmem>>, vector<16xf32>,
    %broadcast_in_dim3A_82 = arith.constant 0.000000e+00 : f32
    %broadcast_in_dim3A_83 = vector.broadcast %broadcast_in_dim3A_82 : f32 to vector<16xf32>
    %swap3A_84 = arith.constant 48 : index
    %swap3A_85 = tpu.vector_load %arg6[%swap3A_84] {strides = array<i32>} : memref<640xf32, #tpu.memory_space<vmem>>, vector<16xf32>,
    %swap3A_86 = vector.shape_cast %swap3A_85 : vector<16xf32> to vector<16xf32>
    %swap3A_87 = vector.shape_cast %broadcast_in_dim3A_83 : vector<16xf32> to vector<16xf32>
    tpu.vector_store %arg6[%swap3A_84], %swap3A_87 {strides = array<i32>} : memref<640xf32, #tpu.memory_space<vmem>>, vector<16xf32>,
    %broadcast_in_dim3A_88 = arith.constant 0.000000e+00 : f32
    %broadcast_in_dim3A_89 = vector.broadcast %broadcast_in_dim3A_88 : f32 to vector<16xf32>
    %swap3A_90 = arith.constant 64 : index
    %swap3A_91 = tpu.vector_load %arg6[%swap3A_90] {strides = array<i32>} : memref<640xf32, #tpu.memory_space<vmem>>, vector<16xf32>,
    %swap3A_92 = vector.shape_cast %swap3A_91 : vector<16xf32> to vector<16xf32>
    %swap3A_93 = vector.shape_cast %broadcast_in_dim3A_89 : vector<16xf32> to vector<16xf32>
    tpu.vector_store %arg6[%swap3A_90], %swap3A_93 {strides = array<i32>} : memref<640xf32, #tpu.memory_space<vmem>>, vector<16xf32>,
    %broadcast_in_dim3A_94 = arith.constant 0.000000e+00 : f32
    %broadcast_in_dim3A_95 = vector.broadcast %broadcast_in_dim3A_94 : f32 to vector<16xf32>
    %swap3A_96 = arith.constant 80 : index
    %swap3A_97 = tpu.vector_load %arg6[%swap3A_96] {strides = array<i32>} : memref<640xf32, #tpu.memory_space<vmem>>, vector<16xf32>,
    %swap3A_98 = vector.shape_cast %swap3A_97 : vector<16xf32> to vector<16xf32>
    %swap3A_99 = vector.shape_cast %broadcast_in_dim3A_95 : vector<16xf32> to vector<16xf32>
    tpu.vector_store %arg6[%swap3A_96], %swap3A_99 {strides = array<i32>} : memref<640xf32, #tpu.memory_space<vmem>>, vector<16xf32>,
    %broadcast_in_dim3A_100 = arith.constant 0.000000e+00 : f32
    %broadcast_in_dim3A_101 = vector.broadcast %broadcast_in_dim3A_100 : f32 to vector<16xf32>
    %swap3A_102 = arith.constant 96 : index
    %swap3A_103 = tpu.vector_load %arg6[%swap3A_102] {strides = array<i32>} : memref<640xf32, #tpu.memory_space<vmem>>, vector<16xf32>,
    %swap3A_104 = vector.shape_cast %swap3A_103 : vector<16xf32> to vector<16xf32>
    %swap3A_105 = vector.shape_cast %broadcast_in_dim3A_101 : vector<16xf32> to vector<16xf32>
    tpu.vector_store %arg6[%swap3A_102], %swap3A_105 {strides = array<i32>} : memref<640xf32, #tpu.memory_space<vmem>>, vector<16xf32>,
    %broadcast_in_dim3A_106 = arith.constant 0.000000e+00 : f32
    %broadcast_in_dim3A_107 = vector.broadcast %broadcast_in_dim3A_106 : f32 to vector<16xf32>
    %swap3A_108 = arith.constant 112 : index
    %swap3A_109 = tpu.vector_load %arg6[%swap3A_108] {strides = array<i32>} : memref<640xf32, #tpu.memory_space<vmem>>, vector<16xf32>,
    %swap3A_110 = vector.shape_cast %swap3A_109 : vector<16xf32> to vector<16xf32>
    %swap3A_111 = vector.shape_cast %broadcast_in_dim3A_107 : vector<16xf32> to vector<16xf32>
    tpu.vector_store %arg6[%swap3A_108], %swap3A_111 {strides = array<i32>} : memref<640xf32, #tpu.memory_space<vmem>>, vector<16xf32>,
    %broadcast_in_dim3A_112 = arith.constant 0.000000e+00 : f32
    %broadcast_in_dim3A_113 = vector.broadcast %broadcast_in_dim3A_112 : f32 to vector<16xf32>
    %swap3A_114 = arith.constant 128 : index
    %swap3A_115 = tpu.vector_load %arg6[%swap3A_114] {strides = array<i32>} : memref<640xf32, #tpu.memory_space<vmem>>, vector<16xf32>,
    %swap3A_116 = vector.shape_cast %swap3A_115 : vector<16xf32> to vector<16xf32>
    %swap3A_117 = vector.shape_cast %broadcast_in_dim3A_113 : vector<16xf32> to vector<16xf32>
    tpu.vector_store %arg6[%swap3A_114], %swap3A_117 {strides = array<i32>} : memref<640xf32, #tpu.memory_space<vmem>>, vector<16xf32>,
    %broadcast_in_dim3A_118 = arith.constant 0.000000e+00 : f32
    %broadcast_in_dim3A_119 = vector.broadcast %broadcast_in_dim3A_118 : f32 to vector<16xf32>
    %swap3A_120 = arith.constant 144 : index
    %swap3A_121 = tpu.vector_load %arg6[%swap3A_120] {strides = array<i32>} : memref<640xf32, #tpu.memory_space<vmem>>, vector<16xf32>,
    %swap3A_122 = vector.shape_cast %swap3A_121 : vector<16xf32> to vector<16xf32>
    %swap3A_123 = vector.shape_cast %broadcast_in_dim3A_119 : vector<16xf32> to vector<16xf32>
    tpu.vector_store %arg6[%swap3A_120], %swap3A_123 {strides = array<i32>} : memref<640xf32, #tpu.memory_space<vmem>>, vector<16xf32>,
    %broadcast_in_dim3A_124 = arith.constant 0.000000e+00 : f32
    %broadcast_in_dim3A_125 = vector.broadcast %broadcast_in_dim3A_124 : f32 to vector<16xf32>
    %swap3A_126 = arith.constant 160 : index
    %swap3A_127 = tpu.vector_load %arg6[%swap3A_126] {strides = array<i32>} : memref<640xf32, #tpu.memory_space<vmem>>, vector<16xf32>,
    %swap3A_128 = vector.shape_cast %swap3A_127 : vector<16xf32> to vector<16xf32>
    %swap3A_129 = vector.shape_cast %broadcast_in_dim3A_125 : vector<16xf32> to vector<16xf32>
    tpu.vector_store %arg6[%swap3A_126], %swap3A_129 {strides = array<i32>} : memref<640xf32, #tpu.memory_space<vmem>>, vector<16xf32>,
    %broadcast_in_dim3A_130 = arith.constant 0.000000e+00 : f32
    %broadcast_in_dim3A_131 = vector.broadcast %broadcast_in_dim3A_130 : f32 to vector<16xf32>
    %swap3A_132 = arith.constant 176 : index
    %swap3A_133 = tpu.vector_load %arg6[%swap3A_132] {strides = array<i32>} : memref<640xf32, #tpu.memory_space<vmem>>, vector<16xf32>,
    %swap3A_134 = vector.shape_cast %swap3A_133 : vector<16xf32> to vector<16xf32>
    %swap3A_135 = vector.shape_cast %broadcast_in_dim3A_131 : vector<16xf32> to vector<16xf32>
    tpu.vector_store %arg6[%swap3A_132], %swap3A_135 {strides = array<i32>} : memref<640xf32, #tpu.memory_space<vmem>>, vector<16xf32>,
    %broadcast_in_dim3A_136 = arith.constant 0.000000e+00 : f32
    %broadcast_in_dim3A_137 = vector.broadcast %broadcast_in_dim3A_136 : f32 to vector<16xf32>
    %swap3A_138 = arith.constant 192 : index
    %swap3A_139 = tpu.vector_load %arg6[%swap3A_138] {strides = array<i32>} : memref<640xf32, #tpu.memory_space<vmem>>, vector<16xf32>,
    %swap3A_140 = vector.shape_cast %swap3A_139 : vector<16xf32> to vector<16xf32>
    %swap3A_141 = vector.shape_cast %broadcast_in_dim3A_137 : vector<16xf32> to vector<16xf32>
    tpu.vector_store %arg6[%swap3A_138], %swap3A_141 {strides = array<i32>} : memref<640xf32, #tpu.memory_space<vmem>>, vector<16xf32>,
    %broadcast_in_dim3A_142 = arith.constant 0.000000e+00 : f32
    %broadcast_in_dim3A_143 = vector.broadcast %broadcast_in_dim3A_142 : f32 to vector<16xf32>
    %swap3A_144 = arith.constant 208 : index
    %swap3A_145 = tpu.vector_load %arg6[%swap3A_144] {strides = array<i32>} : memref<640xf32, #tpu.memory_space<vmem>>, vector<16xf32>,
    %swap3A_146 = vector.shape_cast %swap3A_145 : vector<16xf32> to vector<16xf32>
    %swap3A_147 = vector.shape_cast %broadcast_in_dim3A_143 : vector<16xf32> to vector<16xf32>
    tpu.vector_store %arg6[%swap3A_144], %swap3A_147 {strides = array<i32>} : memref<640xf32, #tpu.memory_space<vmem>>, vector<16xf32>,
    %broadcast_in_dim3A_148 = arith.constant 0.000000e+00 : f32
    %broadcast_in_dim3A_149 = vector.broadcast %broadcast_in_dim3A_148 : f32 to vector<16xf32>
    %swap3A_150 = arith.constant 224 : index
    %swap3A_151 = tpu.vector_load %arg6[%swap3A_150] {strides = array<i32>} : memref<640xf32, #tpu.memory_space<vmem>>, vector<16xf32>,
    %swap3A_152 = vector.shape_cast %swap3A_151 : vector<16xf32> to vector<16xf32>
    %swap3A_153 = vector.shape_cast %broadcast_in_dim3A_149 : vector<16xf32> to vector<16xf32>
    tpu.vector_store %arg6[%swap3A_150], %swap3A_153 {strides = array<i32>} : memref<640xf32, #tpu.memory_space<vmem>>, vector<16xf32>,
    %broadcast_in_dim3A_154 = arith.constant 0.000000e+00 : f32
    %broadcast_in_dim3A_155 = vector.broadcast %broadcast_in_dim3A_154 : f32 to vector<16xf32>
    %swap3A_156 = arith.constant 240 : index
    %swap3A_157 = tpu.vector_load %arg6[%swap3A_156] {strides = array<i32>} : memref<640xf32, #tpu.memory_space<vmem>>, vector<16xf32>,
    %swap3A_158 = vector.shape_cast %swap3A_157 : vector<16xf32> to vector<16xf32>
    %swap3A_159 = vector.shape_cast %broadcast_in_dim3A_155 : vector<16xf32> to vector<16xf32>
    tpu.vector_store %arg6[%swap3A_156], %swap3A_159 {strides = array<i32>} : memref<640xf32, #tpu.memory_space<vmem>>, vector<16xf32>,
    %broadcast_in_dim3A_160 = arith.constant 0.000000e+00 : f32
    %broadcast_in_dim3A_161 = vector.broadcast %broadcast_in_dim3A_160 : f32 to vector<16xf32>
    %swap3A_162 = arith.constant 256 : index
    %swap3A_163 = tpu.vector_load %arg6[%swap3A_162] {strides = array<i32>} : memref<640xf32, #tpu.memory_space<vmem>>, vector<16xf32>,
    %swap3A_164 = vector.shape_cast %swap3A_163 : vector<16xf32> to vector<16xf32>
    %swap3A_165 = vector.shape_cast %broadcast_in_dim3A_161 : vector<16xf32> to vector<16xf32>
    tpu.vector_store %arg6[%swap3A_162], %swap3A_165 {strides = array<i32>} : memref<640xf32, #tpu.memory_space<vmem>>, vector<16xf32>,
    %broadcast_in_dim3A_166 = arith.constant 0.000000e+00 : f32
    %broadcast_in_dim3A_167 = vector.broadcast %broadcast_in_dim3A_166 : f32 to vector<16xf32>
    %swap3A_168 = arith.constant 272 : index
    %swap3A_169 = tpu.vector_load %arg6[%swap3A_168] {strides = array<i32>} : memref<640xf32, #tpu.memory_space<vmem>>, vector<16xf32>,
    %swap3A_170 = vector.shape_cast %swap3A_169 : vector<16xf32> to vector<16xf32>
    %swap3A_171 = vector.shape_cast %broadcast_in_dim3A_167 : vector<16xf32> to vector<16xf32>
    tpu.vector_store %arg6[%swap3A_168], %swap3A_171 {strides = array<i32>} : memref<640xf32, #tpu.memory_space<vmem>>, vector<16xf32>,
    %broadcast_in_dim3A_172 = arith.constant 0.000000e+00 : f32
    %broadcast_in_dim3A_173 = vector.broadcast %broadcast_in_dim3A_172 : f32 to vector<16xf32>
    %swap3A_174 = arith.constant 288 : index
    %swap3A_175 = tpu.vector_load %arg6[%swap3A_174] {strides = array<i32>} : memref<640xf32, #tpu.memory_space<vmem>>, vector<16xf32>,
    %swap3A_176 = vector.shape_cast %swap3A_175 : vector<16xf32> to vector<16xf32>
    %swap3A_177 = vector.shape_cast %broadcast_in_dim3A_173 : vector<16xf32> to vector<16xf32>
    tpu.vector_store %arg6[%swap3A_174], %swap3A_177 {strides = array<i32>} : memref<640xf32, #tpu.memory_space<vmem>>, vector<16xf32>,
    %broadcast_in_dim3A_178 = arith.constant 0.000000e+00 : f32
    %broadcast_in_dim3A_179 = vector.broadcast %broadcast_in_dim3A_178 : f32 to vector<16xf32>
    %swap3A_180 = arith.constant 304 : index
    %swap3A_181 = tpu.vector_load %arg6[%swap3A_180] {strides = array<i32>} : memref<640xf32, #tpu.memory_space<vmem>>, vector<16xf32>,
    %swap3A_182 = vector.shape_cast %swap3A_181 : vector<16xf32> to vector<16xf32>
    %swap3A_183 = vector.shape_cast %broadcast_in_dim3A_179 : vector<16xf32> to vector<16xf32>
    tpu.vector_store %arg6[%swap3A_180], %swap3A_183 {strides = array<i32>} : memref<640xf32, #tpu.memory_space<vmem>>, vector<16xf32>,
    %broadcast_in_dim3A_184 = arith.constant 0.000000e+00 : f32
    %broadcast_in_dim3A_185 = vector.broadcast %broadcast_in_dim3A_184 : f32 to vector<16xf32>
    %swap3A_186 = arith.constant 320 : index
    %swap3A_187 = tpu.vector_load %arg6[%swap3A_186] {strides = array<i32>} : memref<640xf32, #tpu.memory_space<vmem>>, vector<16xf32>,
    %swap3A_188 = vector.shape_cast %swap3A_187 : vector<16xf32> to vector<16xf32>
    %swap3A_189 = vector.shape_cast %broadcast_in_dim3A_185 : vector<16xf32> to vector<16xf32>
    tpu.vector_store %arg6[%swap3A_186], %swap3A_189 {strides = array<i32>} : memref<640xf32, #tpu.memory_space<vmem>>, vector<16xf32>,
    %broadcast_in_dim3A_190 = arith.constant 0.000000e+00 : f32
    %broadcast_in_dim3A_191 = vector.broadcast %broadcast_in_dim3A_190 : f32 to vector<16xf32>
    %swap3A_192 = arith.constant 336 : index
    %swap3A_193 = tpu.vector_load %arg6[%swap3A_192] {strides = array<i32>} : memref<640xf32, #tpu.memory_space<vmem>>, vector<16xf32>,
    %swap3A_194 = vector.shape_cast %swap3A_193 : vector<16xf32> to vector<16xf32>
    %swap3A_195 = vector.shape_cast %broadcast_in_dim3A_191 : vector<16xf32> to vector<16xf32>
    tpu.vector_store %arg6[%swap3A_192], %swap3A_195 {strides = array<i32>} : memref<640xf32, #tpu.memory_space<vmem>>, vector<16xf32>,
    %broadcast_in_dim3A_196 = arith.constant 0.000000e+00 : f32
    %broadcast_in_dim3A_197 = vector.broadcast %broadcast_in_dim3A_196 : f32 to vector<16xf32>
    %swap3A_198 = arith.constant 352 : index
    %swap3A_199 = tpu.vector_load %arg6[%swap3A_198] {strides = array<i32>} : memref<640xf32, #tpu.memory_space<vmem>>, vector<16xf32>,
    %swap3A_200 = vector.shape_cast %swap3A_199 : vector<16xf32> to vector<16xf32>
    %swap3A_201 = vector.shape_cast %broadcast_in_dim3A_197 : vector<16xf32> to vector<16xf32>
    tpu.vector_store %arg6[%swap3A_198], %swap3A_201 {strides = array<i32>} : memref<640xf32, #tpu.memory_space<vmem>>, vector<16xf32>,
    %broadcast_in_dim3A_202 = arith.constant 0.000000e+00 : f32
    %broadcast_in_dim3A_203 = vector.broadcast %broadcast_in_dim3A_202 : f32 to vector<16xf32>
    %swap3A_204 = arith.constant 368 : index
    %swap3A_205 = tpu.vector_load %arg6[%swap3A_204] {strides = array<i32>} : memref<640xf32, #tpu.memory_space<vmem>>, vector<16xf32>,
    %swap3A_206 = vector.shape_cast %swap3A_205 : vector<16xf32> to vector<16xf32>
    %swap3A_207 = vector.shape_cast %broadcast_in_dim3A_203 : vector<16xf32> to vector<16xf32>
    tpu.vector_store %arg6[%swap3A_204], %swap3A_207 {strides = array<i32>} : memref<640xf32, #tpu.memory_space<vmem>>, vector<16xf32>,
    %broadcast_in_dim3A_208 = arith.constant 0.000000e+00 : f32
    %broadcast_in_dim3A_209 = vector.broadcast %broadcast_in_dim3A_208 : f32 to vector<16xf32>
    %swap3A_210 = arith.constant 384 : index
    %swap3A_211 = tpu.vector_load %arg6[%swap3A_210] {strides = array<i32>} : memref<640xf32, #tpu.memory_space<vmem>>, vector<16xf32>,
    %swap3A_212 = vector.shape_cast %swap3A_211 : vector<16xf32> to vector<16xf32>
    %swap3A_213 = vector.shape_cast %broadcast_in_dim3A_209 : vector<16xf32> to vector<16xf32>
    tpu.vector_store %arg6[%swap3A_210], %swap3A_213 {strides = array<i32>} : memref<640xf32, #tpu.memory_space<vmem>>, vector<16xf32>,
    %broadcast_in_dim3A_214 = arith.constant 0.000000e+00 : f32
    %broadcast_in_dim3A_215 = vector.broadcast %broadcast_in_dim3A_214 : f32 to vector<16xf32>
    %swap3A_216 = arith.constant 400 : index
    %swap3A_217 = tpu.vector_load %arg6[%swap3A_216] {strides = array<i32>} : memref<640xf32, #tpu.memory_space<vmem>>, vector<16xf32>,
    %swap3A_218 = vector.shape_cast %swap3A_217 : vector<16xf32> to vector<16xf32>
    %swap3A_219 = vector.shape_cast %broadcast_in_dim3A_215 : vector<16xf32> to vector<16xf32>
    tpu.vector_store %arg6[%swap3A_216], %swap3A_219 {strides = array<i32>} : memref<640xf32, #tpu.memory_space<vmem>>, vector<16xf32>,
    %broadcast_in_dim3A_220 = arith.constant 0.000000e+00 : f32
    %broadcast_in_dim3A_221 = vector.broadcast %broadcast_in_dim3A_220 : f32 to vector<16xf32>
    %swap3A_222 = arith.constant 416 : index
    %swap3A_223 = tpu.vector_load %arg6[%swap3A_222] {strides = array<i32>} : memref<640xf32, #tpu.memory_space<vmem>>, vector<16xf32>,
    %swap3A_224 = vector.shape_cast %swap3A_223 : vector<16xf32> to vector<16xf32>
    %swap3A_225 = vector.shape_cast %broadcast_in_dim3A_221 : vector<16xf32> to vector<16xf32>
    tpu.vector_store %arg6[%swap3A_222], %swap3A_225 {strides = array<i32>} : memref<640xf32, #tpu.memory_space<vmem>>, vector<16xf32>,
    %broadcast_in_dim3A_226 = arith.constant 0.000000e+00 : f32
    %broadcast_in_dim3A_227 = vector.broadcast %broadcast_in_dim3A_226 : f32 to vector<16xf32>
    %swap3A_228 = arith.constant 432 : index
    %swap3A_229 = tpu.vector_load %arg6[%swap3A_228] {strides = array<i32>} : memref<640xf32, #tpu.memory_space<vmem>>, vector<16xf32>,
    %swap3A_230 = vector.shape_cast %swap3A_229 : vector<16xf32> to vector<16xf32>
    %swap3A_231 = vector.shape_cast %broadcast_in_dim3A_227 : vector<16xf32> to vector<16xf32>
    tpu.vector_store %arg6[%swap3A_228], %swap3A_231 {strides = array<i32>} : memref<640xf32, #tpu.memory_space<vmem>>, vector<16xf32>,
    %broadcast_in_dim3A_232 = arith.constant 0.000000e+00 : f32
    %broadcast_in_dim3A_233 = vector.broadcast %broadcast_in_dim3A_232 : f32 to vector<16xf32>
    %swap3A_234 = arith.constant 448 : index
    %swap3A_235 = tpu.vector_load %arg6[%swap3A_234] {strides = array<i32>} : memref<640xf32, #tpu.memory_space<vmem>>, vector<16xf32>,
    %swap3A_236 = vector.shape_cast %swap3A_235 : vector<16xf32> to vector<16xf32>
    %swap3A_237 = vector.shape_cast %broadcast_in_dim3A_233 : vector<16xf32> to vector<16xf32>
    tpu.vector_store %arg6[%swap3A_234], %swap3A_237 {strides = array<i32>} : memref<640xf32, #tpu.memory_space<vmem>>, vector<16xf32>,
    %broadcast_in_dim3A_238 = arith.constant 0.000000e+00 : f32
    %broadcast_in_dim3A_239 = vector.broadcast %broadcast_in_dim3A_238 : f32 to vector<16xf32>
    %swap3A_240 = arith.constant 464 : index
    %swap3A_241 = tpu.vector_load %arg6[%swap3A_240] {strides = array<i32>} : memref<640xf32, #tpu.memory_space<vmem>>, vector<16xf32>,
    %swap3A_242 = vector.shape_cast %swap3A_241 : vector<16xf32> to vector<16xf32>
    %swap3A_243 = vector.shape_cast %broadcast_in_dim3A_239 : vector<16xf32> to vector<16xf32>
    tpu.vector_store %arg6[%swap3A_240], %swap3A_243 {strides = array<i32>} : memref<640xf32, #tpu.memory_space<vmem>>, vector<16xf32>,
    %broadcast_in_dim3A_244 = arith.constant 0.000000e+00 : f32
    %broadcast_in_dim3A_245 = vector.broadcast %broadcast_in_dim3A_244 : f32 to vector<16xf32>
    %swap3A_246 = arith.constant 480 : index
    %swap3A_247 = tpu.vector_load %arg6[%swap3A_246] {strides = array<i32>} : memref<640xf32, #tpu.memory_space<vmem>>, vector<16xf32>,
    %swap3A_248 = vector.shape_cast %swap3A_247 : vector<16xf32> to vector<16xf32>
    %swap3A_249 = vector.shape_cast %broadcast_in_dim3A_245 : vector<16xf32> to vector<16xf32>
    tpu.vector_store %arg6[%swap3A_246], %swap3A_249 {strides = array<i32>} : memref<640xf32, #tpu.memory_space<vmem>>, vector<16xf32>,
    %broadcast_in_dim3A_250 = arith.constant 0.000000e+00 : f32
    %broadcast_in_dim3A_251 = vector.broadcast %broadcast_in_dim3A_250 : f32 to vector<16xf32>
    %swap3A_252 = arith.constant 496 : index
    %swap3A_253 = tpu.vector_load %arg6[%swap3A_252] {strides = array<i32>} : memref<640xf32, #tpu.memory_space<vmem>>, vector<16xf32>,
    %swap3A_254 = vector.shape_cast %swap3A_253 : vector<16xf32> to vector<16xf32>
    %swap3A_255 = vector.shape_cast %broadcast_in_dim3A_251 : vector<16xf32> to vector<16xf32>
    tpu.vector_store %arg6[%swap3A_252], %swap3A_255 {strides = array<i32>} : memref<640xf32, #tpu.memory_space<vmem>>, vector<16xf32>,
    %broadcast_in_dim3A_256 = arith.constant 0.000000e+00 : f32
    %broadcast_in_dim3A_257 = vector.broadcast %broadcast_in_dim3A_256 : f32 to vector<16xf32>
    %swap3A_258 = arith.constant 512 : index
    %swap3A_259 = tpu.vector_load %arg6[%swap3A_258] {strides = array<i32>} : memref<640xf32, #tpu.memory_space<vmem>>, vector<16xf32>,
    %swap3A_260 = vector.shape_cast %swap3A_259 : vector<16xf32> to vector<16xf32>
    %swap3A_261 = vector.shape_cast %broadcast_in_dim3A_257 : vector<16xf32> to vector<16xf32>
    tpu.vector_store %arg6[%swap3A_258], %swap3A_261 {strides = array<i32>} : memref<640xf32, #tpu.memory_space<vmem>>, vector<16xf32>,
    %broadcast_in_dim3A_262 = arith.constant 0.000000e+00 : f32
    %broadcast_in_dim3A_263 = vector.broadcast %broadcast_in_dim3A_262 : f32 to vector<16xf32>
    %swap3A_264 = arith.constant 528 : index
    %swap3A_265 = tpu.vector_load %arg6[%swap3A_264] {strides = array<i32>} : memref<640xf32, #tpu.memory_space<vmem>>, vector<16xf32>,
    %swap3A_266 = vector.shape_cast %swap3A_265 : vector<16xf32> to vector<16xf32>
    %swap3A_267 = vector.shape_cast %broadcast_in_dim3A_263 : vector<16xf32> to vector<16xf32>
    tpu.vector_store %arg6[%swap3A_264], %swap3A_267 {strides = array<i32>} : memref<640xf32, #tpu.memory_space<vmem>>, vector<16xf32>,
    %broadcast_in_dim3A_268 = arith.constant 0.000000e+00 : f32
    %broadcast_in_dim3A_269 = vector.broadcast %broadcast_in_dim3A_268 : f32 to vector<16xf32>
    %swap3A_270 = arith.constant 544 : index
    %swap3A_271 = tpu.vector_load %arg6[%swap3A_270] {strides = array<i32>} : memref<640xf32, #tpu.memory_space<vmem>>, vector<16xf32>,
    %swap3A_272 = vector.shape_cast %swap3A_271 : vector<16xf32> to vector<16xf32>
    %swap3A_273 = vector.shape_cast %broadcast_in_dim3A_269 : vector<16xf32> to vector<16xf32>
    tpu.vector_store %arg6[%swap3A_270], %swap3A_273 {strides = array<i32>} : memref<640xf32, #tpu.memory_space<vmem>>, vector<16xf32>,
    %broadcast_in_dim3A_274 = arith.constant 0.000000e+00 : f32
    %broadcast_in_dim3A_275 = vector.broadcast %broadcast_in_dim3A_274 : f32 to vector<16xf32>
    %swap3A_276 = arith.constant 560 : index
    %swap3A_277 = tpu.vector_load %arg6[%swap3A_276] {strides = array<i32>} : memref<640xf32, #tpu.memory_space<vmem>>, vector<16xf32>,
    %swap3A_278 = vector.shape_cast %swap3A_277 : vector<16xf32> to vector<16xf32>
    %swap3A_279 = vector.shape_cast %broadcast_in_dim3A_275 : vector<16xf32> to vector<16xf32>
    tpu.vector_store %arg6[%swap3A_276], %swap3A_279 {strides = array<i32>} : memref<640xf32, #tpu.memory_space<vmem>>, vector<16xf32>,
    %broadcast_in_dim3A_280 = arith.constant 0.000000e+00 : f32
    %broadcast_in_dim3A_281 = vector.broadcast %broadcast_in_dim3A_280 : f32 to vector<16xf32>
    %swap3A_282 = arith.constant 576 : index
    %swap3A_283 = tpu.vector_load %arg6[%swap3A_282] {strides = array<i32>} : memref<640xf32, #tpu.memory_space<vmem>>, vector<16xf32>,
    %swap3A_284 = vector.shape_cast %swap3A_283 : vector<16xf32> to vector<16xf32>
    %swap3A_285 = vector.shape_cast %broadcast_in_dim3A_281 : vector<16xf32> to vector<16xf32>
    tpu.vector_store %arg6[%swap3A_282], %swap3A_285 {strides = array<i32>} : memref<640xf32, #tpu.memory_space<vmem>>, vector<16xf32>,
    %broadcast_in_dim3A_286 = arith.constant 0.000000e+00 : f32
    %broadcast_in_dim3A_287 = vector.broadcast %broadcast_in_dim3A_286 : f32 to vector<16xf32>
    %swap3A_288 = arith.constant 592 : index
    %swap3A_289 = tpu.vector_load %arg6[%swap3A_288] {strides = array<i32>} : memref<640xf32, #tpu.memory_space<vmem>>, vector<16xf32>,
    %swap3A_290 = vector.shape_cast %swap3A_289 : vector<16xf32> to vector<16xf32>
    %swap3A_291 = vector.shape_cast %broadcast_in_dim3A_287 : vector<16xf32> to vector<16xf32>
    tpu.vector_store %arg6[%swap3A_288], %swap3A_291 {strides = array<i32>} : memref<640xf32, #tpu.memory_space<vmem>>, vector<16xf32>,
    %broadcast_in_dim3A_292 = arith.constant 0.000000e+00 : f32
    %broadcast_in_dim3A_293 = vector.broadcast %broadcast_in_dim3A_292 : f32 to vector<16xf32>
    %swap3A_294 = arith.constant 608 : index
    %swap3A_295 = tpu.vector_load %arg6[%swap3A_294] {strides = array<i32>} : memref<640xf32, #tpu.memory_space<vmem>>, vector<16xf32>,
    %swap3A_296 = vector.shape_cast %swap3A_295 : vector<16xf32> to vector<16xf32>
    %swap3A_297 = vector.shape_cast %broadcast_in_dim3A_293 : vector<16xf32> to vector<16xf32>
    tpu.vector_store %arg6[%swap3A_294], %swap3A_297 {strides = array<i32>} : memref<640xf32, #tpu.memory_space<vmem>>, vector<16xf32>,
    %broadcast_in_dim3A_298 = arith.constant 0.000000e+00 : f32
    %broadcast_in_dim3A_299 = vector.broadcast %broadcast_in_dim3A_298 : f32 to vector<16xf32>
    %swap3A_300 = arith.constant 624 : index
    %swap3A_301 = tpu.vector_load %arg6[%swap3A_300] {strides = array<i32>} : memref<640xf32, #tpu.memory_space<vmem>>, vector<16xf32>,
    %swap3A_302 = vector.shape_cast %swap3A_301 : vector<16xf32> to vector<16xf32>
    %swap3A_303 = vector.shape_cast %broadcast_in_dim3A_299 : vector<16xf32> to vector<16xf32>
    tpu.vector_store %arg6[%swap3A_300], %swap3A_303 {strides = array<i32>} : memref<640xf32, #tpu.memory_space<vmem>>, vector<16xf32>,
    %mul3A_304 = arith.constant 640 : i32
    %mul3A_305 = arith.muli %arg1, %mul3A_304 : i32
    "tpu.region"() ({
      %run_scoped3A = tpu.sem_alloc : memref<!tpu.dma_semaphore, #tpu.memory_space<semaphore_mem>>
      %dma_start3A_332 = tpu.memref_slice %arg7[%mul3A_305] : memref<10240xf32, #tpu.memory_space<vmem_shared>> -> memref<640xf32, #tpu.memory_space<vmem_shared>>
      %dma_start3A_333 = tpu.memref_slice %arg7[%mul3A_305] : memref<10240xf32, #tpu.memory_space<vmem_shared>> -> memref<640xf32, #tpu.memory_space<vmem_shared>>
      tpu.enqueue_dma source(%arg6 : memref<640xf32, #tpu.memory_space<vmem>>) target(%dma_start3A_333 : memref<640xf32, #tpu.memory_space<vmem_shared>>) target_semaphore(%run_scoped3A : memref<!tpu.dma_semaphore, #tpu.memory_space<semaphore_mem>>)
      %dma_wait3A_334 = tpu.memref_slice %arg7[%mul3A_305] : memref<10240xf32, #tpu.memory_space<vmem_shared>> -> memref<640xf32, #tpu.memory_space<vmem_shared>>
      %dma_wait3A_335 = tpu.memref_slice %arg7[%mul3A_305] : memref<10240xf32, #tpu.memory_space<vmem_shared>> -> memref<640xf32, #tpu.memory_space<vmem_shared>>
      tpu.wait_dma2 semaphore(%run_scoped3A : memref<!tpu.dma_semaphore, #tpu.memory_space<semaphore_mem>>) src(%arg6 : memref<640xf32, #tpu.memory_space<vmem>>) dst(%dma_wait3A_335 : memref<640xf32, #tpu.memory_space<vmem_shared>>)
      tpu.yield
    }) : () -> ()
    %barrier3A = arith.constant 0 : index
    tpu.barrier barrier_id(%barrier3A)
    %scan3A = arith.constant 0 : i32
    %scan3A_306 = arith.constant 5 : i32
    %scan3A_307 = arith.addi %scan3A, %scan3A_306 : i32
    %scan3A_308 = arith.constant 1 : i32
    scf.for %scan3A_332 = %scan3A to %scan3A_307 step %scan3A_308  : i32 {
      %mul3A_333 = arith.constant 2 : i32
      %mul3A_334 = arith.muli %scan3A_332, %mul3A_333 : i32
      %add3A_335 = arith.constant 0 : i32
      %add3A_336 = arith.addi %mul3A_334, %add3A_335 : i32
      %dma_wait3A_337 = arith.constant 0 : i32
      %dma_wait3A_338 = arith.constant 0 : i32
      %dma_wait3A_339 = arith.constant 0 : i32
      %dma_wait3A_340 = arith.constant 0 : i32
      %dma_wait3A_341 = tpu.memref_slice %arg4[%dma_wait3A_338, %dma_wait3A_339, %dma_wait3A_340] : memref<2x8x128xi32, #tpu.memory_space<vmem>> -> memref<1x8x128xi32, #tpu.memory_space<vmem>>
      %dma_wait3A_342 = tpu.memref_squeeze %dma_wait3A_341 : memref<1x8x128xi32, #tpu.memory_space<vmem>> -> memref<8x128xi32, #tpu.memory_space<vmem>>
      %dma_wait3A_343 = arith.constant 0 : i32
      %dma_wait3A_344 = arith.constant 0 : i32
      %dma_wait3A_345 = tpu.memref_slice %arg2[%add3A, %dma_wait3A_337, %dma_wait3A_343, %dma_wait3A_344] : memref<32x11x8x128xi32, #tpu.memory_space<hbm>> -> memref<1x1x8x128xi32, #tpu.memory_space<hbm>>
      %dma_wait3A_346 = tpu.memref_squeeze %dma_wait3A_345 : memref<1x1x8x128xi32, #tpu.memory_space<hbm>> -> memref<8x128xi32, #tpu.memory_space<hbm>>
      %dma_wait3A_347 = arith.constant 0 : i32
      %dma_wait3A_348 = arith.constant 0 : i32
      %dma_wait3A_349 = tpu.memref_slice %arg4[%dma_wait3A_338, %dma_wait3A_347, %dma_wait3A_348] : memref<2x8x128xi32, #tpu.memory_space<vmem>> -> memref<1x8x128xi32, #tpu.memory_space<vmem>>
      %dma_wait3A_350 = tpu.memref_squeeze %dma_wait3A_349 : memref<1x8x128xi32, #tpu.memory_space<vmem>> -> memref<8x128xi32, #tpu.memory_space<vmem>>
      %dma_wait3A_351 = arith.constant 0 : i32
      %dma_wait3A_352 = arith.constant 0 : i32
      %dma_wait3A_353 = tpu.memref_slice %arg2[%add3A, %dma_wait3A_337, %dma_wait3A_351, %dma_wait3A_352] : memref<32x11x8x128xi32, #tpu.memory_space<hbm>> -> memref<1x1x8x128xi32, #tpu.memory_space<hbm>>
      %dma_wait3A_354 = tpu.memref_squeeze %dma_wait3A_353 : memref<1x1x8x128xi32, #tpu.memory_space<hbm>> -> memref<8x128xi32, #tpu.memory_space<hbm>>
      tpu.wait_dma2 semaphore(%arg8 : memref<!tpu.dma_semaphore, #tpu.memory_space<semaphore_mem>>) src(%dma_wait3A_354 : memref<8x128xi32, #tpu.memory_space<hbm>>) dst(%dma_wait3A_350 : memref<8x128xi32, #tpu.memory_space<vmem>>)
      %add3A_355 = arith.constant 1 : i32
      %add3A_356 = arith.addi %add3A_336, %add3A_355 : i32
      %dma_start3A_357 = arith.constant 1 : i32
      %dma_start3A_358 = arith.constant 0 : i32
      %dma_start3A_359 = arith.constant 0 : i32
      %dma_start3A_360 = tpu.memref_slice %arg4[%dma_start3A_357, %dma_start3A_358, %dma_start3A_359] : memref<2x8x128xi32, #tpu.memory_space<vmem>> -> memref<1x8x128xi32, #tpu.memory_space<vmem>>
      %dma_start3A_361 = tpu.memref_squeeze %dma_start3A_360 : memref<1x8x128xi32, #tpu.memory_space<vmem>> -> memref<8x128xi32, #tpu.memory_space<vmem>>
      %dma_start3A_362 = arith.constant 0 : i32
      %dma_start3A_363 = arith.constant 0 : i32
      %dma_start3A_364 = tpu.memref_slice %arg2[%add3A, %add3A_356, %dma_start3A_362, %dma_start3A_363] : memref<32x11x8x128xi32, #tpu.memory_space<hbm>> -> memref<1x1x8x128xi32, #tpu.memory_space<hbm>>
      %dma_start3A_365 = tpu.memref_squeeze %dma_start3A_364 : memref<1x1x8x128xi32, #tpu.memory_space<hbm>> -> memref<8x128xi32, #tpu.memory_space<hbm>>
      %dma_start3A_366 = arith.constant 0 : i32
      %dma_start3A_367 = arith.constant 0 : i32
      %dma_start3A_368 = tpu.memref_slice %arg4[%dma_start3A_357, %dma_start3A_366, %dma_start3A_367] : memref<2x8x128xi32, #tpu.memory_space<vmem>> -> memref<1x8x128xi32, #tpu.memory_space<vmem>>
      %dma_start3A_369 = tpu.memref_squeeze %dma_start3A_368 : memref<1x8x128xi32, #tpu.memory_space<vmem>> -> memref<8x128xi32, #tpu.memory_space<vmem>>
      %dma_start3A_370 = arith.constant 0 : i32
      %dma_start3A_371 = arith.constant 0 : i32
      %dma_start3A_372 = tpu.memref_slice %arg2[%add3A, %add3A_356, %dma_start3A_370, %dma_start3A_371] : memref<32x11x8x128xi32, #tpu.memory_space<hbm>> -> memref<1x1x8x128xi32, #tpu.memory_space<hbm>>
      %dma_start3A_373 = tpu.memref_squeeze %dma_start3A_372 : memref<1x1x8x128xi32, #tpu.memory_space<hbm>> -> memref<8x128xi32, #tpu.memory_space<hbm>>
      tpu.enqueue_dma source(%dma_start3A_373 : memref<8x128xi32, #tpu.memory_space<hbm>>) target(%dma_start3A_369 : memref<8x128xi32, #tpu.memory_space<vmem>>) target_semaphore(%arg8 : memref<!tpu.dma_semaphore, #tpu.memory_space<semaphore_mem>>)
      %dma_start3A_374 = arith.constant 0 : i32
      %dma_start3A_375 = arith.constant 0 : i32
      %dma_start3A_376 = arith.constant 0 : i32
      %dma_start3A_377 = tpu.memref_slice %arg4[%dma_start3A_374, %dma_start3A_375, %dma_start3A_376] : memref<2x8x128xi32, #tpu.memory_space<vmem>> -> memref<1x1x128xi32, #tpu.memory_space<vmem>>
      %dma_start3A_378 = tpu.memref_squeeze %dma_start3A_377 : memref<1x1x128xi32, #tpu.memory_space<vmem>> -> memref<128xi32, #tpu.memory_space<vmem>>
      %dma_start3A_379 = arith.constant 0 : i32
      %dma_start3A_380 = tpu.memref_slice %arg7[%dma_start3A_379] : memref<10240xf32, #tpu.memory_space<vmem_shared>> -> memref<10240xf32, #tpu.memory_space<vmem_shared>>
      tpu.enqueue_indirect_dma source(%arg5 : memref<128xf32, #tpu.memory_space<vmem>>) target(%dma_start3A_380 : memref<10240xf32, #tpu.memory_space<vmem_shared>>) offsets(%dma_start3A_378 : memref<128xi32, #tpu.memory_space<vmem>>) semaphore(%arg9 : memref<!tpu.dma_semaphore, #tpu.memory_space<semaphore_mem>>) {add = true}
      %dma_start3A_381 = arith.constant 0 : i32
      %dma_start3A_382 = arith.constant 1 : i32
      %dma_start3A_383 = arith.constant 0 : i32
      %dma_start3A_384 = tpu.memref_slice %arg4[%dma_start3A_381, %dma_start3A_382, %dma_start3A_383] : memref<2x8x128xi32, #tpu.memory_space<vmem>> -> memref<1x1x128xi32, #tpu.memory_space<vmem>>
      %dma_start3A_385 = tpu.memref_squeeze %dma_start3A_384 : memref<1x1x128xi32, #tpu.memory_space<vmem>> -> memref<128xi32, #tpu.memory_space<vmem>>
      %dma_start3A_386 = arith.constant 0 : i32
      %dma_start3A_387 = tpu.memref_slice %arg7[%dma_start3A_386] : memref<10240xf32, #tpu.memory_space<vmem_shared>> -> memref<10240xf32, #tpu.memory_space<vmem_shared>>
      tpu.enqueue_indirect_dma source(%arg5 : memref<128xf32, #tpu.memory_space<vmem>>) target(%dma_start3A_387 : memref<10240xf32, #tpu.memory_space<vmem_shared>>) offsets(%dma_start3A_385 : memref<128xi32, #tpu.memory_space<vmem>>) semaphore(%arg9 : memref<!tpu.dma_semaphore, #tpu.memory_space<semaphore_mem>>) {add = true}
      %dma_start3A_388 = arith.constant 0 : i32
      %dma_start3A_389 = arith.constant 2 : i32
      %dma_start3A_390 = arith.constant 0 : i32
      %dma_start3A_391 = tpu.memref_slice %arg4[%dma_start3A_388, %dma_start3A_389, %dma_start3A_390] : memref<2x8x128xi32, #tpu.memory_space<vmem>> -> memref<1x1x128xi32, #tpu.memory_space<vmem>>
      %dma_start3A_392 = tpu.memref_squeeze %dma_start3A_391 : memref<1x1x128xi32, #tpu.memory_space<vmem>> -> memref<128xi32, #tpu.memory_space<vmem>>
      %dma_start3A_393 = arith.constant 0 : i32
      %dma_start3A_394 = tpu.memref_slice %arg7[%dma_start3A_393] : memref<10240xf32, #tpu.memory_space<vmem_shared>> -> memref<10240xf32, #tpu.memory_space<vmem_shared>>
      tpu.enqueue_indirect_dma source(%arg5 : memref<128xf32, #tpu.memory_space<vmem>>) target(%dma_start3A_394 : memref<10240xf32, #tpu.memory_space<vmem_shared>>) offsets(%dma_start3A_392 : memref<128xi32, #tpu.memory_space<vmem>>) semaphore(%arg9 : memref<!tpu.dma_semaphore, #tpu.memory_space<semaphore_mem>>) {add = true}
      %dma_start3A_395 = arith.constant 0 : i32
      %dma_start3A_396 = arith.constant 3 : i32
      %dma_start3A_397 = arith.constant 0 : i32
      %dma_start3A_398 = tpu.memref_slice %arg4[%dma_start3A_395, %dma_start3A_396, %dma_start3A_397] : memref<2x8x128xi32, #tpu.memory_space<vmem>> -> memref<1x1x128xi32, #tpu.memory_space<vmem>>
      %dma_start3A_399 = tpu.memref_squeeze %dma_start3A_398 : memref<1x1x128xi32, #tpu.memory_space<vmem>> -> memref<128xi32, #tpu.memory_space<vmem>>
      %dma_start3A_400 = arith.constant 0 : i32
      %dma_start3A_401 = tpu.memref_slice %arg7[%dma_start3A_400] : memref<10240xf32, #tpu.memory_space<vmem_shared>> -> memref<10240xf32, #tpu.memory_space<vmem_shared>>
      tpu.enqueue_indirect_dma source(%arg5 : memref<128xf32, #tpu.memory_space<vmem>>) target(%dma_start3A_401 : memref<10240xf32, #tpu.memory_space<vmem_shared>>) offsets(%dma_start3A_399 : memref<128xi32, #tpu.memory_space<vmem>>) semaphore(%arg9 : memref<!tpu.dma_semaphore, #tpu.memory_space<semaphore_mem>>) {add = true}
      %dma_start3A_402 = arith.constant 0 : i32
      %dma_start3A_403 = arith.constant 4 : i32
      %dma_start3A_404 = arith.constant 0 : i32
      %dma_start3A_405 = tpu.memref_slice %arg4[%dma_start3A_402, %dma_start3A_403, %dma_start3A_404] : memref<2x8x128xi32, #tpu.memory_space<vmem>> -> memref<1x1x128xi32, #tpu.memory_space<vmem>>
      %dma_start3A_406 = tpu.memref_squeeze %dma_start3A_405 : memref<1x1x128xi32, #tpu.memory_space<vmem>> -> memref<128xi32, #tpu.memory_space<vmem>>
      %dma_start3A_407 = arith.constant 0 : i32
      %dma_start3A_408 = tpu.memref_slice %arg7[%dma_start3A_407] : memref<10240xf32, #tpu.memory_space<vmem_shared>> -> memref<10240xf32, #tpu.memory_space<vmem_shared>>
      tpu.enqueue_indirect_dma source(%arg5 : memref<128xf32, #tpu.memory_space<vmem>>) target(%dma_start3A_408 : memref<10240xf32, #tpu.memory_space<vmem_shared>>) offsets(%dma_start3A_406 : memref<128xi32, #tpu.memory_space<vmem>>) semaphore(%arg9 : memref<!tpu.dma_semaphore, #tpu.memory_space<semaphore_mem>>) {add = true}
      %dma_start3A_409 = arith.constant 0 : i32
      %dma_start3A_410 = arith.constant 5 : i32
      %dma_start3A_411 = arith.constant 0 : i32
      %dma_start3A_412 = tpu.memref_slice %arg4[%dma_start3A_409, %dma_start3A_410, %dma_start3A_411] : memref<2x8x128xi32, #tpu.memory_space<vmem>> -> memref<1x1x128xi32, #tpu.memory_space<vmem>>
      %dma_start3A_413 = tpu.memref_squeeze %dma_start3A_412 : memref<1x1x128xi32, #tpu.memory_space<vmem>> -> memref<128xi32, #tpu.memory_space<vmem>>
      %dma_start3A_414 = arith.constant 0 : i32
      %dma_start3A_415 = tpu.memref_slice %arg7[%dma_start3A_414] : memref<10240xf32, #tpu.memory_space<vmem_shared>> -> memref<10240xf32, #tpu.memory_space<vmem_shared>>
      tpu.enqueue_indirect_dma source(%arg5 : memref<128xf32, #tpu.memory_space<vmem>>) target(%dma_start3A_415 : memref<10240xf32, #tpu.memory_space<vmem_shared>>) offsets(%dma_start3A_413 : memref<128xi32, #tpu.memory_space<vmem>>) semaphore(%arg9 : memref<!tpu.dma_semaphore, #tpu.memory_space<semaphore_mem>>) {add = true}
      %dma_start3A_416 = arith.constant 0 : i32
      %dma_start3A_417 = arith.constant 6 : i32
      %dma_start3A_418 = arith.constant 0 : i32
      %dma_start3A_419 = tpu.memref_slice %arg4[%dma_start3A_416, %dma_start3A_417, %dma_start3A_418] : memref<2x8x128xi32, #tpu.memory_space<vmem>> -> memref<1x1x128xi32, #tpu.memory_space<vmem>>
      %dma_start3A_420 = tpu.memref_squeeze %dma_start3A_419 : memref<1x1x128xi32, #tpu.memory_space<vmem>> -> memref<128xi32, #tpu.memory_space<vmem>>
      %dma_start3A_421 = arith.constant 0 : i32
      %dma_start3A_422 = tpu.memref_slice %arg7[%dma_start3A_421] : memref<10240xf32, #tpu.memory_space<vmem_shared>> -> memref<10240xf32, #tpu.memory_space<vmem_shared>>
      tpu.enqueue_indirect_dma source(%arg5 : memref<128xf32, #tpu.memory_space<vmem>>) target(%dma_start3A_422 : memref<10240xf32, #tpu.memory_space<vmem_shared>>) offsets(%dma_start3A_420 : memref<128xi32, #tpu.memory_space<vmem>>) semaphore(%arg9 : memref<!tpu.dma_semaphore, #tpu.memory_space<semaphore_mem>>) {add = true}
      %dma_start3A_423 = arith.constant 0 : i32
      %dma_start3A_424 = arith.constant 7 : i32
      %dma_start3A_425 = arith.constant 0 : i32
      %dma_start3A_426 = tpu.memref_slice %arg4[%dma_start3A_423, %dma_start3A_424, %dma_start3A_425] : memref<2x8x128xi32, #tpu.memory_space<vmem>> -> memref<1x1x128xi32, #tpu.memory_space<vmem>>
      %dma_start3A_427 = tpu.memref_squeeze %dma_start3A_426 : memref<1x1x128xi32, #tpu.memory_space<vmem>> -> memref<128xi32, #tpu.memory_space<vmem>>
      %dma_start3A_428 = arith.constant 0 : i32
      %dma_start3A_429 = tpu.memref_slice %arg7[%dma_start3A_428] : memref<10240xf32, #tpu.memory_space<vmem_shared>> -> memref<10240xf32, #tpu.memory_space<vmem_shared>>
      tpu.enqueue_indirect_dma source(%arg5 : memref<128xf32, #tpu.memory_space<vmem>>) target(%dma_start3A_429 : memref<10240xf32, #tpu.memory_space<vmem_shared>>) offsets(%dma_start3A_427 : memref<128xi32, #tpu.memory_space<vmem>>) semaphore(%arg9 : memref<!tpu.dma_semaphore, #tpu.memory_space<semaphore_mem>>) {add = true}
      %dma_wait3A_430 = arith.constant 0 : i32
      %dma_wait3A_431 = arith.constant 0 : i32
      %dma_wait3A_432 = arith.constant 0 : i32
      %dma_wait3A_433 = tpu.memref_slice %arg4[%dma_wait3A_430, %dma_wait3A_431, %dma_wait3A_432] : memref<2x8x128xi32, #tpu.memory_space<vmem>> -> memref<1x1x128xi32, #tpu.memory_space<vmem>>
      %dma_wait3A_434 = tpu.memref_squeeze %dma_wait3A_433 : memref<1x1x128xi32, #tpu.memory_space<vmem>> -> memref<128xi32, #tpu.memory_space<vmem>>
      %dma_wait3A_435 = arith.constant 0 : i32
      %dma_wait3A_436 = tpu.memref_slice %arg7[%dma_wait3A_435] : memref<10240xf32, #tpu.memory_space<vmem_shared>> -> memref<10240xf32, #tpu.memory_space<vmem_shared>>
      tpu.wait_indirect_dma semaphore(%arg9 : memref<!tpu.dma_semaphore, #tpu.memory_space<semaphore_mem>>) src(%arg5 : memref<128xf32, #tpu.memory_space<vmem>>) dst(%dma_wait3A_436 : memref<10240xf32, #tpu.memory_space<vmem_shared>>)
      %dma_wait3A_437 = arith.constant 0 : i32
      %dma_wait3A_438 = arith.constant 1 : i32
      %dma_wait3A_439 = arith.constant 0 : i32
      %dma_wait3A_440 = tpu.memref_slice %arg4[%dma_wait3A_437, %dma_wait3A_438, %dma_wait3A_439] : memref<2x8x128xi32, #tpu.memory_space<vmem>> -> memref<1x1x128xi32, #tpu.memory_space<vmem>>
      %dma_wait3A_441 = tpu.memref_squeeze %dma_wait3A_440 : memref<1x1x128xi32, #tpu.memory_space<vmem>> -> memref<128xi32, #tpu.memory_space<vmem>>
      %dma_wait3A_442 = arith.constant 0 : i32
      %dma_wait3A_443 = tpu.memref_slice %arg7[%dma_wait3A_442] : memref<10240xf32, #tpu.memory_space<vmem_shared>> -> memref<10240xf32, #tpu.memory_space<vmem_shared>>
      tpu.wait_indirect_dma semaphore(%arg9 : memref<!tpu.dma_semaphore, #tpu.memory_space<semaphore_mem>>) src(%arg5 : memref<128xf32, #tpu.memory_space<vmem>>) dst(%dma_wait3A_443 : memref<10240xf32, #tpu.memory_space<vmem_shared>>)
      %dma_wait3A_444 = arith.constant 0 : i32
      %dma_wait3A_445 = arith.constant 2 : i32
      %dma_wait3A_446 = arith.constant 0 : i32
      %dma_wait3A_447 = tpu.memref_slice %arg4[%dma_wait3A_444, %dma_wait3A_445, %dma_wait3A_446] : memref<2x8x128xi32, #tpu.memory_space<vmem>> -> memref<1x1x128xi32, #tpu.memory_space<vmem>>
      %dma_wait3A_448 = tpu.memref_squeeze %dma_wait3A_447 : memref<1x1x128xi32, #tpu.memory_space<vmem>> -> memref<128xi32, #tpu.memory_space<vmem>>
      %dma_wait3A_449 = arith.constant 0 : i32
      %dma_wait3A_450 = tpu.memref_slice %arg7[%dma_wait3A_449] : memref<10240xf32, #tpu.memory_space<vmem_shared>> -> memref<10240xf32, #tpu.memory_space<vmem_shared>>
      tpu.wait_indirect_dma semaphore(%arg9 : memref<!tpu.dma_semaphore, #tpu.memory_space<semaphore_mem>>) src(%arg5 : memref<128xf32, #tpu.memory_space<vmem>>) dst(%dma_wait3A_450 : memref<10240xf32, #tpu.memory_space<vmem_shared>>)
      %dma_wait3A_451 = arith.constant 0 : i32
      %dma_wait3A_452 = arith.constant 3 : i32
      %dma_wait3A_453 = arith.constant 0 : i32
      %dma_wait3A_454 = tpu.memref_slice %arg4[%dma_wait3A_451, %dma_wait3A_452, %dma_wait3A_453] : memref<2x8x128xi32, #tpu.memory_space<vmem>> -> memref<1x1x128xi32, #tpu.memory_space<vmem>>
      %dma_wait3A_455 = tpu.memref_squeeze %dma_wait3A_454 : memref<1x1x128xi32, #tpu.memory_space<vmem>> -> memref<128xi32, #tpu.memory_space<vmem>>
      %dma_wait3A_456 = arith.constant 0 : i32
      %dma_wait3A_457 = tpu.memref_slice %arg7[%dma_wait3A_456] : memref<10240xf32, #tpu.memory_space<vmem_shared>> -> memref<10240xf32, #tpu.memory_space<vmem_shared>>
      tpu.wait_indirect_dma semaphore(%arg9 : memref<!tpu.dma_semaphore, #tpu.memory_space<semaphore_mem>>) src(%arg5 : memref<128xf32, #tpu.memory_space<vmem>>) dst(%dma_wait3A_457 : memref<10240xf32, #tpu.memory_space<vmem_shared>>)
      %dma_wait3A_458 = arith.constant 0 : i32
      %dma_wait3A_459 = arith.constant 4 : i32
      %dma_wait3A_460 = arith.constant 0 : i32
      %dma_wait3A_461 = tpu.memref_slice %arg4[%dma_wait3A_458, %dma_wait3A_459, %dma_wait3A_460] : memref<2x8x128xi32, #tpu.memory_space<vmem>> -> memref<1x1x128xi32, #tpu.memory_space<vmem>>
      %dma_wait3A_462 = tpu.memref_squeeze %dma_wait3A_461 : memref<1x1x128xi32, #tpu.memory_space<vmem>> -> memref<128xi32, #tpu.memory_space<vmem>>
      %dma_wait3A_463 = arith.constant 0 : i32
      %dma_wait3A_464 = tpu.memref_slice %arg7[%dma_wait3A_463] : memref<10240xf32, #tpu.memory_space<vmem_shared>> -> memref<10240xf32, #tpu.memory_space<vmem_shared>>
      tpu.wait_indirect_dma semaphore(%arg9 : memref<!tpu.dma_semaphore, #tpu.memory_space<semaphore_mem>>) src(%arg5 : memref<128xf32, #tpu.memory_space<vmem>>) dst(%dma_wait3A_464 : memref<10240xf32, #tpu.memory_space<vmem_shared>>)
      %dma_wait3A_465 = arith.constant 0 : i32
      %dma_wait3A_466 = arith.constant 5 : i32
      %dma_wait3A_467 = arith.constant 0 : i32
      %dma_wait3A_468 = tpu.memref_slice %arg4[%dma_wait3A_465, %dma_wait3A_466, %dma_wait3A_467] : memref<2x8x128xi32, #tpu.memory_space<vmem>> -> memref<1x1x128xi32, #tpu.memory_space<vmem>>
      %dma_wait3A_469 = tpu.memref_squeeze %dma_wait3A_468 : memref<1x1x128xi32, #tpu.memory_space<vmem>> -> memref<128xi32, #tpu.memory_space<vmem>>
      %dma_wait3A_470 = arith.constant 0 : i32
      %dma_wait3A_471 = tpu.memref_slice %arg7[%dma_wait3A_470] : memref<10240xf32, #tpu.memory_space<vmem_shared>> -> memref<10240xf32, #tpu.memory_space<vmem_shared>>
      tpu.wait_indirect_dma semaphore(%arg9 : memref<!tpu.dma_semaphore, #tpu.memory_space<semaphore_mem>>) src(%arg5 : memref<128xf32, #tpu.memory_space<vmem>>) dst(%dma_wait3A_471 : memref<10240xf32, #tpu.memory_space<vmem_shared>>)
      %dma_wait3A_472 = arith.constant 0 : i32
      %dma_wait3A_473 = arith.constant 6 : i32
      %dma_wait3A_474 = arith.constant 0 : i32
      %dma_wait3A_475 = tpu.memref_slice %arg4[%dma_wait3A_472, %dma_wait3A_473, %dma_wait3A_474] : memref<2x8x128xi32, #tpu.memory_space<vmem>> -> memref<1x1x128xi32, #tpu.memory_space<vmem>>
      %dma_wait3A_476 = tpu.memref_squeeze %dma_wait3A_475 : memref<1x1x128xi32, #tpu.memory_space<vmem>> -> memref<128xi32, #tpu.memory_space<vmem>>
      %dma_wait3A_477 = arith.constant 0 : i32
      %dma_wait3A_478 = tpu.memref_slice %arg7[%dma_wait3A_477] : memref<10240xf32, #tpu.memory_space<vmem_shared>> -> memref<10240xf32, #tpu.memory_space<vmem_shared>>
      tpu.wait_indirect_dma semaphore(%arg9 : memref<!tpu.dma_semaphore, #tpu.memory_space<semaphore_mem>>) src(%arg5 : memref<128xf32, #tpu.memory_space<vmem>>) dst(%dma_wait3A_478 : memref<10240xf32, #tpu.memory_space<vmem_shared>>)
      %dma_wait3A_479 = arith.constant 0 : i32
      %dma_wait3A_480 = arith.constant 7 : i32
      %dma_wait3A_481 = arith.constant 0 : i32
      %dma_wait3A_482 = tpu.memref_slice %arg4[%dma_wait3A_479, %dma_wait3A_480, %dma_wait3A_481] : memref<2x8x128xi32, #tpu.memory_space<vmem>> -> memref<1x1x128xi32, #tpu.memory_space<vmem>>
      %dma_wait3A_483 = tpu.memref_squeeze %dma_wait3A_482 : memref<1x1x128xi32, #tpu.memory_space<vmem>> -> memref<128xi32, #tpu.memory_space<vmem>>
      %dma_wait3A_484 = arith.constant 0 : i32
      %dma_wait3A_485 = tpu.memref_slice %arg7[%dma_wait3A_484] : memref<10240xf32, #tpu.memory_space<vmem_shared>> -> memref<10240xf32, #tpu.memory_space<vmem_shared>>
      tpu.wait_indirect_dma semaphore(%arg9 : memref<!tpu.dma_semaphore, #tpu.memory_space<semaphore_mem>>) src(%arg5 : memref<128xf32, #tpu.memory_space<vmem>>) dst(%dma_wait3A_485 : memref<10240xf32, #tpu.memory_space<vmem_shared>>)
      %mul3A_486 = arith.constant 2 : i32
      %mul3A_487 = arith.muli %scan3A_332, %mul3A_486 : i32
      %add3A_488 = arith.constant 1 : i32
      %add3A_489 = arith.addi %mul3A_487, %add3A_488 : i32
      %dma_wait3A_490 = arith.constant 0 : i32
      %dma_wait3A_491 = arith.constant 1 : i32
      %dma_wait3A_492 = arith.constant 0 : i32
      %dma_wait3A_493 = arith.constant 0 : i32
      %dma_wait3A_494 = tpu.memref_slice %arg4[%dma_wait3A_491, %dma_wait3A_492, %dma_wait3A_493] : memref<2x8x128xi32, #tpu.memory_space<vmem>> -> memref<1x8x128xi32, #tpu.memory_space<vmem>>
      %dma_wait3A_495 = tpu.memref_squeeze %dma_wait3A_494 : memref<1x8x128xi32, #tpu.memory_space<vmem>> -> memref<8x128xi32, #tpu.memory_space<vmem>>
      %dma_wait3A_496 = arith.constant 0 : i32
      %dma_wait3A_497 = arith.constant 0 : i32
      %dma_wait3A_498 = tpu.memref_slice %arg2[%add3A, %dma_wait3A_490, %dma_wait3A_496, %dma_wait3A_497] : memref<32x11x8x128xi32, #tpu.memory_space<hbm>> -> memref<1x1x8x128xi32, #tpu.memory_space<hbm>>
      %dma_wait3A_499 = tpu.memref_squeeze %dma_wait3A_498 : memref<1x1x8x128xi32, #tpu.memory_space<hbm>> -> memref<8x128xi32, #tpu.memory_space<hbm>>
      %dma_wait3A_500 = arith.constant 0 : i32
      %dma_wait3A_501 = arith.constant 0 : i32
      %dma_wait3A_502 = tpu.memref_slice %arg4[%dma_wait3A_491, %dma_wait3A_500, %dma_wait3A_501] : memref<2x8x128xi32, #tpu.memory_space<vmem>> -> memref<1x8x128xi32, #tpu.memory_space<vmem>>
      %dma_wait3A_503 = tpu.memref_squeeze %dma_wait3A_502 : memref<1x8x128xi32, #tpu.memory_space<vmem>> -> memref<8x128xi32, #tpu.memory_space<vmem>>
      %dma_wait3A_504 = arith.constant 0 : i32
      %dma_wait3A_505 = arith.constant 0 : i32
      %dma_wait3A_506 = tpu.memref_slice %arg2[%add3A, %dma_wait3A_490, %dma_wait3A_504, %dma_wait3A_505] : memref<32x11x8x128xi32, #tpu.memory_space<hbm>> -> memref<1x1x8x128xi32, #tpu.memory_space<hbm>>
      %dma_wait3A_507 = tpu.memref_squeeze %dma_wait3A_506 : memref<1x1x8x128xi32, #tpu.memory_space<hbm>> -> memref<8x128xi32, #tpu.memory_space<hbm>>
      tpu.wait_dma2 semaphore(%arg8 : memref<!tpu.dma_semaphore, #tpu.memory_space<semaphore_mem>>) src(%dma_wait3A_507 : memref<8x128xi32, #tpu.memory_space<hbm>>) dst(%dma_wait3A_503 : memref<8x128xi32, #tpu.memory_space<vmem>>)
      %add3A_508 = arith.constant 1 : i32
      %add3A_509 = arith.addi %add3A_489, %add3A_508 : i32
      %dma_start3A_510 = arith.constant 0 : i32
      %dma_start3A_511 = arith.constant 0 : i32
      %dma_start3A_512 = arith.constant 0 : i32
      %dma_start3A_513 = tpu.memref_slice %arg4[%dma_start3A_510, %dma_start3A_511, %dma_start3A_512] : memref<2x8x128xi32, #tpu.memory_space<vmem>> -> memref<1x8x128xi32, #tpu.memory_space<vmem>>
      %dma_start3A_514 = tpu.memref_squeeze %dma_start3A_513 : memref<1x8x128xi32, #tpu.memory_space<vmem>> -> memref<8x128xi32, #tpu.memory_space<vmem>>
      %dma_start3A_515 = arith.constant 0 : i32
      %dma_start3A_516 = arith.constant 0 : i32
      %dma_start3A_517 = tpu.memref_slice %arg2[%add3A, %add3A_509, %dma_start3A_515, %dma_start3A_516] : memref<32x11x8x128xi32, #tpu.memory_space<hbm>> -> memref<1x1x8x128xi32, #tpu.memory_space<hbm>>
      %dma_start3A_518 = tpu.memref_squeeze %dma_start3A_517 : memref<1x1x8x128xi32, #tpu.memory_space<hbm>> -> memref<8x128xi32, #tpu.memory_space<hbm>>
      %dma_start3A_519 = arith.constant 0 : i32
      %dma_start3A_520 = arith.constant 0 : i32
      %dma_start3A_521 = tpu.memref_slice %arg4[%dma_start3A_510, %dma_start3A_519, %dma_start3A_520] : memref<2x8x128xi32, #tpu.memory_space<vmem>> -> memref<1x8x128xi32, #tpu.memory_space<vmem>>
      %dma_start3A_522 = tpu.memref_squeeze %dma_start3A_521 : memref<1x8x128xi32, #tpu.memory_space<vmem>> -> memref<8x128xi32, #tpu.memory_space<vmem>>
      %dma_start3A_523 = arith.constant 0 : i32
      %dma_start3A_524 = arith.constant 0 : i32
      %dma_start3A_525 = tpu.memref_slice %arg2[%add3A, %add3A_509, %dma_start3A_523, %dma_start3A_524] : memref<32x11x8x128xi32, #tpu.memory_space<hbm>> -> memref<1x1x8x128xi32, #tpu.memory_space<hbm>>
      %dma_start3A_526 = tpu.memref_squeeze %dma_start3A_525 : memref<1x1x8x128xi32, #tpu.memory_space<hbm>> -> memref<8x128xi32, #tpu.memory_space<hbm>>
      tpu.enqueue_dma source(%dma_start3A_526 : memref<8x128xi32, #tpu.memory_space<hbm>>) target(%dma_start3A_522 : memref<8x128xi32, #tpu.memory_space<vmem>>) target_semaphore(%arg8 : memref<!tpu.dma_semaphore, #tpu.memory_space<semaphore_mem>>)
      %dma_start3A_527 = arith.constant 1 : i32
      %dma_start3A_528 = arith.constant 0 : i32
      %dma_start3A_529 = arith.constant 0 : i32
      %dma_start3A_530 = tpu.memref_slice %arg4[%dma_start3A_527, %dma_start3A_528, %dma_start3A_529] : memref<2x8x128xi32, #tpu.memory_space<vmem>> -> memref<1x1x128xi32, #tpu.memory_space<vmem>>
      %dma_start3A_531 = tpu.memref_squeeze %dma_start3A_530 : memref<1x1x128xi32, #tpu.memory_space<vmem>> -> memref<128xi32, #tpu.memory_space<vmem>>
      %dma_start3A_532 = arith.constant 0 : i32
      %dma_start3A_533 = tpu.memref_slice %arg7[%dma_start3A_532] : memref<10240xf32, #tpu.memory_space<vmem_shared>> -> memref<10240xf32, #tpu.memory_space<vmem_shared>>
      tpu.enqueue_indirect_dma source(%arg5 : memref<128xf32, #tpu.memory_space<vmem>>) target(%dma_start3A_533 : memref<10240xf32, #tpu.memory_space<vmem_shared>>) offsets(%dma_start3A_531 : memref<128xi32, #tpu.memory_space<vmem>>) semaphore(%arg9 : memref<!tpu.dma_semaphore, #tpu.memory_space<semaphore_mem>>) {add = true}
      %dma_start3A_534 = arith.constant 1 : i32
      %dma_start3A_535 = arith.constant 1 : i32
      %dma_start3A_536 = arith.constant 0 : i32
      %dma_start3A_537 = tpu.memref_slice %arg4[%dma_start3A_534, %dma_start3A_535, %dma_start3A_536] : memref<2x8x128xi32, #tpu.memory_space<vmem>> -> memref<1x1x128xi32, #tpu.memory_space<vmem>>
      %dma_start3A_538 = tpu.memref_squeeze %dma_start3A_537 : memref<1x1x128xi32, #tpu.memory_space<vmem>> -> memref<128xi32, #tpu.memory_space<vmem>>
      %dma_start3A_539 = arith.constant 0 : i32
      %dma_start3A_540 = tpu.memref_slice %arg7[%dma_start3A_539] : memref<10240xf32, #tpu.memory_space<vmem_shared>> -> memref<10240xf32, #tpu.memory_space<vmem_shared>>
      tpu.enqueue_indirect_dma source(%arg5 : memref<128xf32, #tpu.memory_space<vmem>>) target(%dma_start3A_540 : memref<10240xf32, #tpu.memory_space<vmem_shared>>) offsets(%dma_start3A_538 : memref<128xi32, #tpu.memory_space<vmem>>) semaphore(%arg9 : memref<!tpu.dma_semaphore, #tpu.memory_space<semaphore_mem>>) {add = true}
      %dma_start3A_541 = arith.constant 1 : i32
      %dma_start3A_542 = arith.constant 2 : i32
      %dma_start3A_543 = arith.constant 0 : i32
      %dma_start3A_544 = tpu.memref_slice %arg4[%dma_start3A_541, %dma_start3A_542, %dma_start3A_543] : memref<2x8x128xi32, #tpu.memory_space<vmem>> -> memref<1x1x128xi32, #tpu.memory_space<vmem>>
      %dma_start3A_545 = tpu.memref_squeeze %dma_start3A_544 : memref<1x1x128xi32, #tpu.memory_space<vmem>> -> memref<128xi32, #tpu.memory_space<vmem>>
      %dma_start3A_546 = arith.constant 0 : i32
      %dma_start3A_547 = tpu.memref_slice %arg7[%dma_start3A_546] : memref<10240xf32, #tpu.memory_space<vmem_shared>> -> memref<10240xf32, #tpu.memory_space<vmem_shared>>
      tpu.enqueue_indirect_dma source(%arg5 : memref<128xf32, #tpu.memory_space<vmem>>) target(%dma_start3A_547 : memref<10240xf32, #tpu.memory_space<vmem_shared>>) offsets(%dma_start3A_545 : memref<128xi32, #tpu.memory_space<vmem>>) semaphore(%arg9 : memref<!tpu.dma_semaphore, #tpu.memory_space<semaphore_mem>>) {add = true}
      %dma_start3A_548 = arith.constant 1 : i32
      %dma_start3A_549 = arith.constant 3 : i32
      %dma_start3A_550 = arith.constant 0 : i32
      %dma_start3A_551 = tpu.memref_slice %arg4[%dma_start3A_548, %dma_start3A_549, %dma_start3A_550] : memref<2x8x128xi32, #tpu.memory_space<vmem>> -> memref<1x1x128xi32, #tpu.memory_space<vmem>>
      %dma_start3A_552 = tpu.memref_squeeze %dma_start3A_551 : memref<1x1x128xi32, #tpu.memory_space<vmem>> -> memref<128xi32, #tpu.memory_space<vmem>>
      %dma_start3A_553 = arith.constant 0 : i32
      %dma_start3A_554 = tpu.memref_slice %arg7[%dma_start3A_553] : memref<10240xf32, #tpu.memory_space<vmem_shared>> -> memref<10240xf32, #tpu.memory_space<vmem_shared>>
      tpu.enqueue_indirect_dma source(%arg5 : memref<128xf32, #tpu.memory_space<vmem>>) target(%dma_start3A_554 : memref<10240xf32, #tpu.memory_space<vmem_shared>>) offsets(%dma_start3A_552 : memref<128xi32, #tpu.memory_space<vmem>>) semaphore(%arg9 : memref<!tpu.dma_semaphore, #tpu.memory_space<semaphore_mem>>) {add = true}
      %dma_start3A_555 = arith.constant 1 : i32
      %dma_start3A_556 = arith.constant 4 : i32
      %dma_start3A_557 = arith.constant 0 : i32
      %dma_start3A_558 = tpu.memref_slice %arg4[%dma_start3A_555, %dma_start3A_556, %dma_start3A_557] : memref<2x8x128xi32, #tpu.memory_space<vmem>> -> memref<1x1x128xi32, #tpu.memory_space<vmem>>
      %dma_start3A_559 = tpu.memref_squeeze %dma_start3A_558 : memref<1x1x128xi32, #tpu.memory_space<vmem>> -> memref<128xi32, #tpu.memory_space<vmem>>
      %dma_start3A_560 = arith.constant 0 : i32
      %dma_start3A_561 = tpu.memref_slice %arg7[%dma_start3A_560] : memref<10240xf32, #tpu.memory_space<vmem_shared>> -> memref<10240xf32, #tpu.memory_space<vmem_shared>>
      tpu.enqueue_indirect_dma source(%arg5 : memref<128xf32, #tpu.memory_space<vmem>>) target(%dma_start3A_561 : memref<10240xf32, #tpu.memory_space<vmem_shared>>) offsets(%dma_start3A_559 : memref<128xi32, #tpu.memory_space<vmem>>) semaphore(%arg9 : memref<!tpu.dma_semaphore, #tpu.memory_space<semaphore_mem>>) {add = true}
      %dma_start3A_562 = arith.constant 1 : i32
      %dma_start3A_563 = arith.constant 5 : i32
      %dma_start3A_564 = arith.constant 0 : i32
      %dma_start3A_565 = tpu.memref_slice %arg4[%dma_start3A_562, %dma_start3A_563, %dma_start3A_564] : memref<2x8x128xi32, #tpu.memory_space<vmem>> -> memref<1x1x128xi32, #tpu.memory_space<vmem>>
      %dma_start3A_566 = tpu.memref_squeeze %dma_start3A_565 : memref<1x1x128xi32, #tpu.memory_space<vmem>> -> memref<128xi32, #tpu.memory_space<vmem>>
      %dma_start3A_567 = arith.constant 0 : i32
      %dma_start3A_568 = tpu.memref_slice %arg7[%dma_start3A_567] : memref<10240xf32, #tpu.memory_space<vmem_shared>> -> memref<10240xf32, #tpu.memory_space<vmem_shared>>
      tpu.enqueue_indirect_dma source(%arg5 : memref<128xf32, #tpu.memory_space<vmem>>) target(%dma_start3A_568 : memref<10240xf32, #tpu.memory_space<vmem_shared>>) offsets(%dma_start3A_566 : memref<128xi32, #tpu.memory_space<vmem>>) semaphore(%arg9 : memref<!tpu.dma_semaphore, #tpu.memory_space<semaphore_mem>>) {add = true}
      %dma_start3A_569 = arith.constant 1 : i32
      %dma_start3A_570 = arith.constant 6 : i32
      %dma_start3A_571 = arith.constant 0 : i32
      %dma_start3A_572 = tpu.memref_slice %arg4[%dma_start3A_569, %dma_start3A_570, %dma_start3A_571] : memref<2x8x128xi32, #tpu.memory_space<vmem>> -> memref<1x1x128xi32, #tpu.memory_space<vmem>>
      %dma_start3A_573 = tpu.memref_squeeze %dma_start3A_572 : memref<1x1x128xi32, #tpu.memory_space<vmem>> -> memref<128xi32, #tpu.memory_space<vmem>>
      %dma_start3A_574 = arith.constant 0 : i32
      %dma_start3A_575 = tpu.memref_slice %arg7[%dma_start3A_574] : memref<10240xf32, #tpu.memory_space<vmem_shared>> -> memref<10240xf32, #tpu.memory_space<vmem_shared>>
      tpu.enqueue_indirect_dma source(%arg5 : memref<128xf32, #tpu.memory_space<vmem>>) target(%dma_start3A_575 : memref<10240xf32, #tpu.memory_space<vmem_shared>>) offsets(%dma_start3A_573 : memref<128xi32, #tpu.memory_space<vmem>>) semaphore(%arg9 : memref<!tpu.dma_semaphore, #tpu.memory_space<semaphore_mem>>) {add = true}
      %dma_start3A_576 = arith.constant 1 : i32
      %dma_start3A_577 = arith.constant 7 : i32
      %dma_start3A_578 = arith.constant 0 : i32
      %dma_start3A_579 = tpu.memref_slice %arg4[%dma_start3A_576, %dma_start3A_577, %dma_start3A_578] : memref<2x8x128xi32, #tpu.memory_space<vmem>> -> memref<1x1x128xi32, #tpu.memory_space<vmem>>
      %dma_start3A_580 = tpu.memref_squeeze %dma_start3A_579 : memref<1x1x128xi32, #tpu.memory_space<vmem>> -> memref<128xi32, #tpu.memory_space<vmem>>
      %dma_start3A_581 = arith.constant 0 : i32
      %dma_start3A_582 = tpu.memref_slice %arg7[%dma_start3A_581] : memref<10240xf32, #tpu.memory_space<vmem_shared>> -> memref<10240xf32, #tpu.memory_space<vmem_shared>>
      tpu.enqueue_indirect_dma source(%arg5 : memref<128xf32, #tpu.memory_space<vmem>>) target(%dma_start3A_582 : memref<10240xf32, #tpu.memory_space<vmem_shared>>) offsets(%dma_start3A_580 : memref<128xi32, #tpu.memory_space<vmem>>) semaphore(%arg9 : memref<!tpu.dma_semaphore, #tpu.memory_space<semaphore_mem>>) {add = true}
      %dma_wait3A_583 = arith.constant 1 : i32
      %dma_wait3A_584 = arith.constant 0 : i32
      %dma_wait3A_585 = arith.constant 0 : i32
      %dma_wait3A_586 = tpu.memref_slice %arg4[%dma_wait3A_583, %dma_wait3A_584, %dma_wait3A_585] : memref<2x8x128xi32, #tpu.memory_space<vmem>> -> memref<1x1x128xi32, #tpu.memory_space<vmem>>
      %dma_wait3A_587 = tpu.memref_squeeze %dma_wait3A_586 : memref<1x1x128xi32, #tpu.memory_space<vmem>> -> memref<128xi32, #tpu.memory_space<vmem>>
      %dma_wait3A_588 = arith.constant 0 : i32
      %dma_wait3A_589 = tpu.memref_slice %arg7[%dma_wait3A_588] : memref<10240xf32, #tpu.memory_space<vmem_shared>> -> memref<10240xf32, #tpu.memory_space<vmem_shared>>
      tpu.wait_indirect_dma semaphore(%arg9 : memref<!tpu.dma_semaphore, #tpu.memory_space<semaphore_mem>>) src(%arg5 : memref<128xf32, #tpu.memory_space<vmem>>) dst(%dma_wait3A_589 : memref<10240xf32, #tpu.memory_space<vmem_shared>>)
      %dma_wait3A_590 = arith.constant 1 : i32
      %dma_wait3A_591 = arith.constant 1 : i32
      %dma_wait3A_592 = arith.constant 0 : i32
      %dma_wait3A_593 = tpu.memref_slice %arg4[%dma_wait3A_590, %dma_wait3A_591, %dma_wait3A_592] : memref<2x8x128xi32, #tpu.memory_space<vmem>> -> memref<1x1x128xi32, #tpu.memory_space<vmem>>
      %dma_wait3A_594 = tpu.memref_squeeze %dma_wait3A_593 : memref<1x1x128xi32, #tpu.memory_space<vmem>> -> memref<128xi32, #tpu.memory_space<vmem>>
      %dma_wait3A_595 = arith.constant 0 : i32
      %dma_wait3A_596 = tpu.memref_slice %arg7[%dma_wait3A_595] : memref<10240xf32, #tpu.memory_space<vmem_shared>> -> memref<10240xf32, #tpu.memory_space<vmem_shared>>
      tpu.wait_indirect_dma semaphore(%arg9 : memref<!tpu.dma_semaphore, #tpu.memory_space<semaphore_mem>>) src(%arg5 : memref<128xf32, #tpu.memory_space<vmem>>) dst(%dma_wait3A_596 : memref<10240xf32, #tpu.memory_space<vmem_shared>>)
      %dma_wait3A_597 = arith.constant 1 : i32
      %dma_wait3A_598 = arith.constant 2 : i32
      %dma_wait3A_599 = arith.constant 0 : i32
      %dma_wait3A_600 = tpu.memref_slice %arg4[%dma_wait3A_597, %dma_wait3A_598, %dma_wait3A_599] : memref<2x8x128xi32, #tpu.memory_space<vmem>> -> memref<1x1x128xi32, #tpu.memory_space<vmem>>
      %dma_wait3A_601 = tpu.memref_squeeze %dma_wait3A_600 : memref<1x1x128xi32, #tpu.memory_space<vmem>> -> memref<128xi32, #tpu.memory_space<vmem>>
      %dma_wait3A_602 = arith.constant 0 : i32
      %dma_wait3A_603 = tpu.memref_slice %arg7[%dma_wait3A_602] : memref<10240xf32, #tpu.memory_space<vmem_shared>> -> memref<10240xf32, #tpu.memory_space<vmem_shared>>
      tpu.wait_indirect_dma semaphore(%arg9 : memref<!tpu.dma_semaphore, #tpu.memory_space<semaphore_mem>>) src(%arg5 : memref<128xf32, #tpu.memory_space<vmem>>) dst(%dma_wait3A_603 : memref<10240xf32, #tpu.memory_space<vmem_shared>>)
      %dma_wait3A_604 = arith.constant 1 : i32
      %dma_wait3A_605 = arith.constant 3 : i32
      %dma_wait3A_606 = arith.constant 0 : i32
      %dma_wait3A_607 = tpu.memref_slice %arg4[%dma_wait3A_604, %dma_wait3A_605, %dma_wait3A_606] : memref<2x8x128xi32, #tpu.memory_space<vmem>> -> memref<1x1x128xi32, #tpu.memory_space<vmem>>
      %dma_wait3A_608 = tpu.memref_squeeze %dma_wait3A_607 : memref<1x1x128xi32, #tpu.memory_space<vmem>> -> memref<128xi32, #tpu.memory_space<vmem>>
      %dma_wait3A_609 = arith.constant 0 : i32
      %dma_wait3A_610 = tpu.memref_slice %arg7[%dma_wait3A_609] : memref<10240xf32, #tpu.memory_space<vmem_shared>> -> memref<10240xf32, #tpu.memory_space<vmem_shared>>
      tpu.wait_indirect_dma semaphore(%arg9 : memref<!tpu.dma_semaphore, #tpu.memory_space<semaphore_mem>>) src(%arg5 : memref<128xf32, #tpu.memory_space<vmem>>) dst(%dma_wait3A_610 : memref<10240xf32, #tpu.memory_space<vmem_shared>>)
      %dma_wait3A_611 = arith.constant 1 : i32
      %dma_wait3A_612 = arith.constant 4 : i32
      %dma_wait3A_613 = arith.constant 0 : i32
      %dma_wait3A_614 = tpu.memref_slice %arg4[%dma_wait3A_611, %dma_wait3A_612, %dma_wait3A_613] : memref<2x8x128xi32, #tpu.memory_space<vmem>> -> memref<1x1x128xi32, #tpu.memory_space<vmem>>
      %dma_wait3A_615 = tpu.memref_squeeze %dma_wait3A_614 : memref<1x1x128xi32, #tpu.memory_space<vmem>> -> memref<128xi32, #tpu.memory_space<vmem>>
      %dma_wait3A_616 = arith.constant 0 : i32
      %dma_wait3A_617 = tpu.memref_slice %arg7[%dma_wait3A_616] : memref<10240xf32, #tpu.memory_space<vmem_shared>> -> memref<10240xf32, #tpu.memory_space<vmem_shared>>
      tpu.wait_indirect_dma semaphore(%arg9 : memref<!tpu.dma_semaphore, #tpu.memory_space<semaphore_mem>>) src(%arg5 : memref<128xf32, #tpu.memory_space<vmem>>) dst(%dma_wait3A_617 : memref<10240xf32, #tpu.memory_space<vmem_shared>>)
      %dma_wait3A_618 = arith.constant 1 : i32
      %dma_wait3A_619 = arith.constant 5 : i32
      %dma_wait3A_620 = arith.constant 0 : i32
      %dma_wait3A_621 = tpu.memref_slice %arg4[%dma_wait3A_618, %dma_wait3A_619, %dma_wait3A_620] : memref<2x8x128xi32, #tpu.memory_space<vmem>> -> memref<1x1x128xi32, #tpu.memory_space<vmem>>
      %dma_wait3A_622 = tpu.memref_squeeze %dma_wait3A_621 : memref<1x1x128xi32, #tpu.memory_space<vmem>> -> memref<128xi32, #tpu.memory_space<vmem>>
      %dma_wait3A_623 = arith.constant 0 : i32
      %dma_wait3A_624 = tpu.memref_slice %arg7[%dma_wait3A_623] : memref<10240xf32, #tpu.memory_space<vmem_shared>> -> memref<10240xf32, #tpu.memory_space<vmem_shared>>
      tpu.wait_indirect_dma semaphore(%arg9 : memref<!tpu.dma_semaphore, #tpu.memory_space<semaphore_mem>>) src(%arg5 : memref<128xf32, #tpu.memory_space<vmem>>) dst(%dma_wait3A_624 : memref<10240xf32, #tpu.memory_space<vmem_shared>>)
      %dma_wait3A_625 = arith.constant 1 : i32
      %dma_wait3A_626 = arith.constant 6 : i32
      %dma_wait3A_627 = arith.constant 0 : i32
      %dma_wait3A_628 = tpu.memref_slice %arg4[%dma_wait3A_625, %dma_wait3A_626, %dma_wait3A_627] : memref<2x8x128xi32, #tpu.memory_space<vmem>> -> memref<1x1x128xi32, #tpu.memory_space<vmem>>
      %dma_wait3A_629 = tpu.memref_squeeze %dma_wait3A_628 : memref<1x1x128xi32, #tpu.memory_space<vmem>> -> memref<128xi32, #tpu.memory_space<vmem>>
      %dma_wait3A_630 = arith.constant 0 : i32
      %dma_wait3A_631 = tpu.memref_slice %arg7[%dma_wait3A_630] : memref<10240xf32, #tpu.memory_space<vmem_shared>> -> memref<10240xf32, #tpu.memory_space<vmem_shared>>
      tpu.wait_indirect_dma semaphore(%arg9 : memref<!tpu.dma_semaphore, #tpu.memory_space<semaphore_mem>>) src(%arg5 : memref<128xf32, #tpu.memory_space<vmem>>) dst(%dma_wait3A_631 : memref<10240xf32, #tpu.memory_space<vmem_shared>>)
      %dma_wait3A_632 = arith.constant 1 : i32
      %dma_wait3A_633 = arith.constant 7 : i32
      %dma_wait3A_634 = arith.constant 0 : i32
      %dma_wait3A_635 = tpu.memref_slice %arg4[%dma_wait3A_632, %dma_wait3A_633, %dma_wait3A_634] : memref<2x8x128xi32, #tpu.memory_space<vmem>> -> memref<1x1x128xi32, #tpu.memory_space<vmem>>
      %dma_wait3A_636 = tpu.memref_squeeze %dma_wait3A_635 : memref<1x1x128xi32, #tpu.memory_space<vmem>> -> memref<128xi32, #tpu.memory_space<vmem>>
      %dma_wait3A_637 = arith.constant 0 : i32
      %dma_wait3A_638 = tpu.memref_slice %arg7[%dma_wait3A_637] : memref<10240xf32, #tpu.memory_space<vmem_shared>> -> memref<10240xf32, #tpu.memory_space<vmem_shared>>
      tpu.wait_indirect_dma semaphore(%arg9 : memref<!tpu.dma_semaphore, #tpu.memory_space<semaphore_mem>>) src(%arg5 : memref<128xf32, #tpu.memory_space<vmem>>) dst(%dma_wait3A_638 : memref<10240xf32, #tpu.memory_space<vmem_shared>>)
    }
    %scan3A_309 = arith.constant 5 : i32
    %dma_wait3A = arith.constant 0 : i32
    %dma_wait3A_310 = arith.constant 0 : i32
    %dma_wait3A_311 = arith.constant 0 : i32
    %dma_wait3A_312 = arith.constant 0 : i32
    %dma_wait3A_313 = tpu.memref_slice %arg4[%dma_wait3A_310, %dma_wait3A_311, %dma_wait3A_312] : memref<2x8x128xi32, #tpu.memory_space<vmem>> -> memref<1x8x128xi32, #tpu.memory_space<vmem>>
    %dma_wait3A_314 = tpu.memref_squeeze %dma_wait3A_313 : memref<1x8x128xi32, #tpu.memory_space<vmem>> -> memref<8x128xi32, #tpu.memory_space<vmem>>
    %dma_wait3A_315 = arith.constant 0 : i32
    %dma_wait3A_316 = arith.constant 0 : i32
    %dma_wait3A_317 = tpu.memref_slice %arg2[%add3A, %dma_wait3A, %dma_wait3A_315, %dma_wait3A_316] : memref<32x11x8x128xi32, #tpu.memory_space<hbm>> -> memref<1x1x8x128xi32, #tpu.memory_space<hbm>>
    %dma_wait3A_318 = tpu.memref_squeeze %dma_wait3A_317 : memref<1x1x8x128xi32, #tpu.memory_space<hbm>> -> memref<8x128xi32, #tpu.memory_space<hbm>>
    %dma_wait3A_319 = arith.constant 0 : i32
    %dma_wait3A_320 = arith.constant 0 : i32
    %dma_wait3A_321 = tpu.memref_slice %arg4[%dma_wait3A_310, %dma_wait3A_319, %dma_wait3A_320] : memref<2x8x128xi32, #tpu.memory_space<vmem>> -> memref<1x8x128xi32, #tpu.memory_space<vmem>>
    %dma_wait3A_322 = tpu.memref_squeeze %dma_wait3A_321 : memref<1x8x128xi32, #tpu.memory_space<vmem>> -> memref<8x128xi32, #tpu.memory_space<vmem>>
    %dma_wait3A_323 = arith.constant 0 : i32
    %dma_wait3A_324 = arith.constant 0 : i32
    %dma_wait3A_325 = tpu.memref_slice %arg2[%add3A, %dma_wait3A, %dma_wait3A_323, %dma_wait3A_324] : memref<32x11x8x128xi32, #tpu.memory_space<hbm>> -> memref<1x1x8x128xi32, #tpu.memory_space<hbm>>
    %dma_wait3A_326 = tpu.memref_squeeze %dma_wait3A_325 : memref<1x1x8x128xi32, #tpu.memory_space<hbm>> -> memref<8x128xi32, #tpu.memory_space<hbm>>
    tpu.wait_dma2 semaphore(%arg8 : memref<!tpu.dma_semaphore, #tpu.memory_space<semaphore_mem>>) src(%dma_wait3A_326 : memref<8x128xi32, #tpu.memory_space<hbm>>) dst(%dma_wait3A_322 : memref<8x128xi32, #tpu.memory_space<vmem>>)
    %barrier3A_327 = arith.constant 0 : index
    tpu.barrier barrier_id(%barrier3A_327)
    %mul3A_328 = arith.constant 640 : i32
    %mul3A_329 = arith.muli %arg1, %mul3A_328 : i32
    %mul3A_330 = arith.constant 640 : i32
    %mul3A_331 = arith.muli %arg1, %mul3A_330 : i32
    "tpu.region"() ({
      %run_scoped3A = tpu.sem_alloc : memref<!tpu.dma_semaphore, #tpu.memory_space<semaphore_mem>>
      %dma_start3A_332 = tpu.memref_slice %arg3[%arg0, %mul3A_331] : memref<2x10240xf32, #tpu.memory_space<hbm>> -> memref<1x640xf32, #tpu.memory_space<hbm>>
      %dma_start3A_333 = tpu.memref_squeeze %dma_start3A_332 : memref<1x640xf32, #tpu.memory_space<hbm>> -> memref<640xf32, #tpu.memory_space<hbm>>
      %dma_start3A_334 = tpu.memref_slice %arg7[%mul3A_329] : memref<10240xf32, #tpu.memory_space<vmem_shared>> -> memref<640xf32, #tpu.memory_space<vmem_shared>>
      tpu.enqueue_dma source(%dma_start3A_334 : memref<640xf32, #tpu.memory_space<vmem_shared>>) target(%dma_start3A_333 : memref<640xf32, #tpu.memory_space<hbm>>) target_semaphore(%run_scoped3A : memref<!tpu.dma_semaphore, #tpu.memory_space<semaphore_mem>>)
      %dma_wait3A_335 = tpu.memref_slice %arg3[%arg0, %mul3A_331] : memref<2x10240xf32, #tpu.memory_space<hbm>> -> memref<1x640xf32, #tpu.memory_space<hbm>>
      %dma_wait3A_336 = tpu.memref_squeeze %dma_wait3A_335 : memref<1x640xf32, #tpu.memory_space<hbm>> -> memref<640xf32, #tpu.memory_space<hbm>>
      %dma_wait3A_337 = tpu.memref_slice %arg7[%mul3A_329] : memref<10240xf32, #tpu.memory_space<vmem_shared>> -> memref<640xf32, #tpu.memory_space<vmem_shared>>
      tpu.wait_dma2 semaphore(%run_scoped3A : memref<!tpu.dma_semaphore, #tpu.memory_space<semaphore_mem>>) src(%dma_wait3A_337 : memref<640xf32, #tpu.memory_space<vmem_shared>>) dst(%dma_wait3A_336 : memref<640xf32, #tpu.memory_space<hbm>>)
      tpu.yield
    }) : () -> ()
    return
  }
}

</mosaic_0001>

<sc_bundles>
// kernel: _sc_degree.3.cloned.1.call-start
scs
__scs_entry_jumppad:
0x0: {  	(pc) =	sbr.rel $0x88, $3  }
0x1: {  	(tag) =	ssettag $0x0;
	lr =	simm.s32 $0x1  }
0x2: {  	[smem:$0x3FA0] =	sst lr;
	_ =	strace $0xD0000000  }
0x3: {  	_ = 	snop  }
0x4: {  	_ = 	snop  }
0x5: {  	_ = 	snop  }
0x6: {  	_ = 	snop  }
0x7: {  	_ = 	snop  }
__scs_overlays_trampoline_lowered:
0x8: {  	[smem:$0x3FAF] =	sst s0  }
0x9: {  	[smem:$0x3FB0] =	sst s1  }
0xa: {  	[smem:$0x3FB1] =	sst s2  }
0xb: {  	[smem:$0x3FB2] =	sst s3  }
0xc: {  	[smem:$0x3FB3] =	sst s4  }
0xd: {  	[smem:$0x3FB4] =	sst s5  }
0xe: {  	[smem:$0x3FB5] =	sst s6  }
0xf: {  	[smem:$0x3FB6] =	sst s7  }
0x10: {  	[smem:$0x3FB7] =	sst s8  }
0x11: {  	[smem:$0x3FB8] =	sst s9;
	s0 =	simm.s32 @!p0 $0x0  }
0x12: {  	s1 =	sld [smem:$0x3F9E];
	s0 =	simm.s32 @p0 $0x1  }
0x13: {  	[smem:$0x3FB9] =	sst s0;
	s0 =	simm.s32 @!p1 $0x0  }
0x14: {  	s2 =	sld [smem:$0x3F9D];
	s0 =	simm.s32 @p1 $0x1  }
0x15: {  	[smem:$0x3FBA] =	sst s0;
	s0 =	simm.s32 @!p2 $0x0  }
0x16: {  	s3 =	sld [smem:$0x3FDB];
	s0 =	simm.s32 @p2 $0x1  }
0x17: {  	s4 =	simm.s32 $0x1BF5;
	[smem:$0x3FBC] =	sst s0  }
0x18: {  	s0 =	sld [smem:$0x3F9F];
	_ =	swait.ge [sflag:s4], $0x0  }
0x19: {  	s7 =	sld [smem:$0x3FA0]  }
0x1a: {  	s8 =	sadd.s32 $0xFFFFE003, lr  }
0x1b: {  	s9 =	sadd.s32 $0xFFFFFEF7, lr;
	s5 =	simm.s32 $0xFFFFFFFF;
	p2 =	slt.u32 s8, $0xFFFFF086  }
0x1c: {  	p1 =	slt.u32 s9, $0xF7A;
	s5 =	simm.s32 @!p2 $0x0  }
0x1d: {  	s5 =	simm.s32 @p1 $0x1;
	p0 =	seq.s32 s7, s2  }
0x1e: {  	s7 =	smul.u32 @!p0 $0xF7A, s2;
	p2 =	seq.s32 @!p0 s5, $0x0  }
0x1f: {  	s9 =	smul.u32 $0xF7A, s1;
	s8 =	simm.s32 @!p0 $0x1BF5;
	p2 =	por !p2, p0  }
0x20: {  	[sflag:s8] =	ssyncset.s32 @!p0 $0xFFFFF086;
	s6 =	sadd.s32 @!p0 s3, s7;
	s7 =	simm.s32 @!p0 $0x108  }
0x21: {  	s3 =	sadd.s32 s3, s9;
	s6 =	sadd.s32 @!p0 $0x88, s6;
	s7 =	simm.s32 @p2 $0x1082  }
0x22: {  	[simem:s7], [sflag:s8] =	dma.local @!p0 [hbm:s6], $0xF7A  }
0x23: {  	s9 =	sor.u32 $0xD0000000, s2;
	s6 =	simm.s32 $0x108;
	_ =	swait.ge @!p0 [sflag:s8], $0x0  }
0x24: {  	s3 =	sadd.s32 $0x88, s3;
	s6 =	simm.s32 @!p1 $0x1082;
	[sflag:s4] =	ssyncset.s32 $0xFFFFF086  }
0x25: {  	[simem:s6], [sflag:s4] =	dma.local [hbm:s3], $0xF7A  }
0x26: {  	[smem:$0x3FA0] =	sst s1;
	(tag) =	ssettag s2;
	_ =	strace s9  }
0x27: {  	s1 =	sld [smem:$0x3FB0]  }
0x28: {  	s2 =	sld [smem:$0x3FB1]  }
0x29: {  	s4 =	sld [smem:$0x3FB3]  }
0x2a: {  	p0 =	seq.s32 s5, $0x0;
	s5 =	sld [smem:$0x3FB4]  }
0x2b: {  	s6 =	sld [smem:$0x3FB5]  }
0x2c: {  	s7 =	sld [smem:$0x3FB6]  }
0x2d: {  	s3 =	simm.s32 $0x108;
	s8 =	sld [smem:$0x3FB7]  }
0x2e: {  	s3 =	simm.s32 @!p0 $0x1082;
	s9 =	sld [smem:$0x3FB8]  }
0x2f: {  	lr =	sadd.s32 s0, s3;
	s0 =	sld [smem:$0x3FAF]  }
0x30: {  	s3 =	sld [smem:$0x3FB2]  }
0x31: {  	[smem:$0x3FBB] =	sst s10  }
0x32: {  	s10 =	sld [smem:$0x3FB9];
	_ =	sdelay $0x3  }
0x33: {  	p0 =	seq.s32 s10, $0x1;
	s10 =	sld [smem:$0x3FBB];
	_ =	sdelay $0x3  }
0x34: {  	[smem:$0x3FBB] =	sst s10  }
0x35: {  	s10 =	sld [smem:$0x3FBA];
	_ =	sdelay $0x3  }
0x36: {  	p1 =	seq.s32 s10, $0x1;
	s10 =	sld [smem:$0x3FBB];
	_ =	sdelay $0x3  }
0x37: {  	[smem:$0x3FBB] =	sst s10  }
0x38: {  	s10 =	sld [smem:$0x3FBC]  }
0x39: {  	_ = 	snop;
	(pc) =	sbr.ind lr, $3  }
0x3a: {  	_ = 	snop  }
0x3b: {  	_ = 	snop  }
0x3c: {  	p2 =	seq.s32 s10, $0x1;
	s10 =	sld [smem:$0x3FBB]  }
0x3d: {  	_ =	shalt  }
0x3e: {  	_ =	shalt  }
0x3f: {  	_ =	shalt  }
0x40: {  	_ =	shalt  }
0x41: {  	_ =	shalt  }
0x42: {  	_ =	shalt  }
0x43: {  	_ =	shalt  }
0x44: {  	_ =	shalt  }
0x45: {  	_ =	shalt  }
0x46: {  	_ =	shalt  }
0x47: {  	_ =	shalt  }
0x48: {  	_ =	shalt  }
0x49: {  	_ =	shalt  }
0x4a: {  	_ =	shalt  }
0x4b: {  	_ =	shalt  }
0x4c: {  	_ =	shalt  }
0x4d: {  	_ =	shalt  }
0x4e: {  	_ =	shalt  }
0x4f: {  	_ =	shalt  }
0x50: {  	_ =	shalt  }
0x51: {  	_ =	shalt  }
0x52: {  	_ =	shalt  }
0x53: {  	_ =	shalt  }
0x54: {  	_ =	shalt  }
0x55: {  	_ =	shalt  }
0x56: {  	_ =	shalt  }
0x57: {  	_ =	shalt  }
0x58: {  	_ =	shalt  }
0x59: {  	_ =	shalt  }
0x5a: {  	_ =	shalt  }
0x5b: {  	_ =	shalt  }
0x5c: {  	_ =	shalt  }
0x5d: {  	_ =	shalt  }
0x5e: {  	_ =	shalt  }
0x5f: {  	_ =	shalt  }
0x60: {  	_ =	shalt  }
0x61: {  	_ =	shalt  }
0x62: {  	_ =	shalt  }
0x63: {  	_ =	shalt  }
0x64: {  	_ =	shalt  }
0x65: {  	_ =	shalt  }
0x66: {  	_ =	shalt  }
0x67: {  	_ =	shalt  }
0x68: {  	_ =	shalt  }
0x69: {  	_ =	shalt  }
0x6a: {  	_ =	shalt  }
0x6b: {  	_ =	shalt  }
0x6c: {  	_ =	shalt  }
0x6d: {  	_ =	shalt  }
0x6e: {  	_ =	shalt  }
0x6f: {  	_ =	shalt  }
0x70: {  	_ =	shalt  }
0x71: {  	_ =	shalt  }
0x72: {  	_ =	shalt  }
0x73: {  	_ =	shalt  }
0x74: {  	_ =	shalt  }
0x75: {  	_ =	shalt  }
0x76: {  	_ =	shalt  }
0x77: {  	_ =	shalt  }
0x78: {  	_ =	shalt  }
0x79: {  	_ =	shalt  }
0x7a: {  	_ =	shalt  }
0x7b: {  	_ =	shalt  }
0x7c: {  	_ =	shalt  }
0x7d: {  	_ =	shalt  }
0x7e: {  	_ =	shalt  }
0x7f: {  	_ =	shalt  }
0x80: {  	_ =	shalt  }
0x81: {  	_ =	shalt  }
0x82: {  	_ =	shalt  }
0x83: {  	_ =	shalt  }
0x84: {  	_ =	shalt  }
0x85: {  	_ =	shalt  }
0x86: {  	_ =	shalt  }
0x87: {  	_ =	shalt  }
.Lfunc_end0:
.L_simem_size_0:
called_computation_lowered:
.L_overlay_start_0:
0x88: {  	s2 =	sld [smem:$0x3FD9]  }
0x89: {  	s3 =	sld [smem:$0x3FFE];
	_ =	sdelay $0x1  }
0x8a: {  	s1 =	srdreg.scid  }
0x8b: {  	s0 =	sand.u32 $0x1, s1  }
0x8c: {  	s17 =	sshll.u32 s0, $0xA;
	s2 =	sadd.s32 s3, s2  }
0x8d: {  	s2 =	sadd.s32 s2, s17  }
0x8e: {  	[smem:$0x3FC7] =	sst s2  }
0x8f: {  	_ = 	snop  }
0x90: {  	s2 =	sld [smem:$0x3FC9];
	(tm) =	ssettm $0x1  }
0x91: {  	s18 =	sld [smem:$0x3FFB];
	_ =	sdelay $0x3  }
0x92: {  	_ =	strace s18  }
0x93: {  	s3 =	sld [smem:$0x3FFC];
	_ =	sdelay $0x3  }
0x94: {  	_ =	strace s3  }
0x95: {  	s3 =	sld [smem:$0x3FFD];
	_ =	sdelay $0x3  }
0x96: {  	_ =	strace s3  }
0x97: {  	_ =	strace $0x8FFFFFFF  }
0x98: {  	s19 =	sld [smem:$0x3FDB];
	_ =	sdelay $0x1  }
0x99: {  	s4 =	simm.s32 $_scs_section_size  }
0x9a: {  	s5 =	simm.s32 $_size__tile_overlayer_lowered;
	s6 =	simm.s32 $_tile_overlayer_lowered  }
0x9b: {  	s22 =	simm.s32 $0x1BFF;
	s21 =	sshll.u32 s6, $0x1;
	s3 =	sadd.s32 s4, s19  }
0x9c: {  	s7 =	simm.s32 $0x0;
	s20 =	sshll.u32 s5, $0x1;
	s5 =	sadd.s32 s21, s3  }
0x9d: {  	[timem:s7], [sflag:s22] =	dma.local [hbm:s5], s20  }
0x9e: {  	_ =	swait.ge [sflag:s22], s20  }
0x9f: {  	s4 =	ssub.s32 $0x0, s20;
	[sflag:s22] =	ssyncset.done $0x0  }
0xa0: {  	[sflag:s22] =	ssyncadd.s32 s4;
	_ =	sdelay $0x1  }
0xa1: {  	s23 =	simm.s32 $0x1B8B  }
0xa2: {  	_ =	swait.ge [sflag:s23], $0x1  }
0xa3: {  	[sflag:s23] =	ssyncset.done $0x0  }
0xa4: {  	s25 =	simm.s32 $0x1B8E;
	s24 =	sld [smem:$0x3FFE];
	[sflag:s23] =	ssyncadd.s32 $0xFFFFFFFF  }
0xa5: {  	s26 =	simm.s32 $execute0_lowered;
	[smem:$0x3FD2] =	sst s25  }
0xa6: {  	s5 =	sshll.u32 s26, $0x1;
	_ =	strace $0x80000046;
	[dreg:$0x1] =	wrdreg $0xFFFFFFFF  }
0xa7: {  	s28 =	simm.s32 $_size_execute0_lowered;
	s3 =	sadd.s32 s3, s5;
	[dreg:$0x0] =	wrdreg $0x0  }
0xa8: {  	s5 =	sshll.u32 s28, $0x1;
	[dreg:$0x2] =	wrdreg s3  }
0xa9: {  	[dreg:$0x3] =	wrdreg s5  }
0xaa: {  	[dreg:$0x4] =	wrdreg $0xC0  }
0xab: {  	_ =	task [dreg:s7], $0x5FFFF  }
0xac: {  	[dreg:$0x1] =	wrdreg $0xFFFFFFFF  }
0xad: {  	[dreg:$0x0] =	wrdreg $0x60  }
0xae: {  	[dreg:$0x2] =	wrdreg s2  }
0xaf: {  	[dreg:$0x3] =	wrdreg s24  }
0xb0: {  	[dreg:$0x4] =	wrdreg $0xB000  }
0xb1: {  	[dreg:$0x5] =	wrdreg $0x9  }
0xb2: {  	_ =	task.clear_ibuf [dreg:s7], $0x6FFFF;
	_ =	strace $0x90000046  }
0xb3: {  	s29 =	simm.s32 $0x9;
	_ =	strace $0x80000048  }
0xb4: {  	_ =	swait.ge [sflag:s29], $0x1  }
0xb5: {  	[sflag:s29] =	ssyncadd.s32 $0xFFFFFFFF  }
0xb6: {  	_ =	strace $0x90000048  }
0xb7: {  	_ =	sfence  }
0xb8: {  	s30 =	sld [smem:$0x0];
	_ =	sdelay $0x2  }
0xb9: {  	s31 =	sshll.u32 s1, $0xD;
	s1 =	sshrl.u32 s1, $0x2  }
0xba: {  	s3 =	sand.u32 $0x4000, s31;
	s1 =	sadd.s32 s1, s30  }
0xbb: {  	s0 =	sor.u32 s3, s0;
	s1 =	sshll.u32 s1, $0x11  }
0xbc: {  	s0 =	sor.u32 s1, s0  }
0xbd: {  	s0 =	sadd.s32 $0x8F2B, s0  }
0xbe: {  	[sflag:s0] =	ssyncadd.remote.s32 $0x1  }
0xbf: {  	_ =	sfence.sel $0xFFFF  }
0xc0: {  	[dreg:$0x0] =	wrdreg $0xFFFFFFFF;
	(pc) =	sbr.abs _section_cstart, $3  }
0xc1: {  	[dreg:$0x1] =	wrdreg $0xFFFFFFFF  }
0xc2: {  	_ =	task.clear_ibuf [dreg:s7], $0x2FFFF;
	_ =	strace $0x9FFFFFFF  }
0xc3: {  	(tm) =	ssettm $0x7FFFFFFF  }
tec
execute0_lowered:
.L_overlay_start_1:
0x0: {  	(tag) =	ssettag $0x1  }
0x1: {  	s1 =	rddreg [dreg:$0x0]  }
0x2: {  	s0 =	srdreg.scid;
	s2 =	rddreg [dreg:$0x1]  }
0x3: {  	s9 =	stileid.u32;
	s3 =	rddreg [dreg:$0x2]  }
0x4: {  	s12 =	simm.s32 $0x3;
	s13 =	simm.s32 $0x1;
	s14 =	simm.s32 $0x400  }
0x5: {  	s15 =	simm.s32 $0x80;
	s16 =	simm.s32 $0x800;
	s17 =	simm.s32 $0x100  }
0x6: {  	s18 =	simm.s32 $0x180;
	s19 =	simm.s32 $0x200;
	s20 =	simm.s32 $0x280  }
0x7: {  	s21 =	simm.s32 $0x300;
	s22 =	simm.s32 $0x380;
	s23 =	simm.s32 $0x2  }
0x8: {  	s28 =	simm.s32 $0x600;
	s0 =	sand.u32 $0x1, s0;
	s6 =	smul.u32 $0x280, s9  }
0x9: {  	s29 =	simm.s32 $0x680;
	s30 =	simm.s32 $0x700;
	s5 =	smul.u32 $0x2800, s0  }
0xa: {  	s31 =	simm.s32 $0x780;
	s4 =	sshll.u32 s0, $0x4;
	s8 =	smul.u32 $0x2C000, s0  }
0xb: {  	s0 =	ssub.s32 $0x2, s0;
	s4 =	sor.u32 s9, s4;
	s9 =	smul.u32 $0x2C00, s9  }
0xc: {  	s24 =	sshrl.u32 s0, $0x1;
	s7 =	smul.u32 $0x2C00, s4;
	s4 =	simm.s32 $0x0  }
0xd: {  	s5 =	sadd.s32 s6, s5;
	s0 =	ssub.s32 s0, s24;
	s6 =	sadd.s32 s6, s3  }
0xe: {  	s24 =	simm.s32 $0x480;
	[smem:$0x7FF] =	sst s4;
	s5 =	sshrl.u32 s5, $0x3  }
0xf: {  	s9 =	sadd.s32 s9, s8;
	_ =	strace $0x80000047;
	s7 =	sshrl.u32 s7, $0x3  }
0x10: {  	s2 =	sadd.s32 s5, s2;
	s8 =	sadd.s32 $0x400, s9;
	s25 =	sadd.s32 s1, s7  }
0x11: {  	s7 =	sadd.s32 $0x400, s2;
	s26 =	sshrl.u32 s8, $0x3;
	s8 =	smax.u32 s0, $0x1  }
0x12: {  	s0 =	sadd.s32 $0x800, s9;
	s2 =	simm.s32 $0x0;
	[dreg:$0x4] =	wrdreg s25  }
0x13: {  	v0 =	vimm.f32 $1.000000000e+00;
	v1 =	vimm.f32 $0.0e+00;
	s10 =	sadd.s32 s26, s1;
	s25 =	simm.s32 $0x500;
	s26 =	simm.s32 $0x580  }
.LBB2_1:
0x14: {  	s5 =	rddreg [dreg:$0x4]  }
0x15: {  	[tilespmem:s4], [sflag:$0x1] =	stream.linear.gather [hbm4b:s5+s4], $0x400, $0x38;
	[tilespmem:$0xD80] =	vst v63  }
0x16: {  	[tilespmem:$0x800] =	vst v0  }
0x17: {  	[tilespmem:$0x810] =	vst v0  }
0x18: {  	[tilespmem:$0x820] =	vst v0  }
0x19: {  	[tilespmem:$0x830] =	vst v0  }
0x1a: {  	[tilespmem:$0x840] =	vst v0  }
0x1b: {  	[tilespmem:$0x850] =	vst v0  }
0x1c: {  	[tilespmem:$0x860] =	vst v0  }
0x1d: {  	[tilespmem:$0x870] =	vst v0  }
0x1e: {  	[tilespmem:$0x880] =	vst v1  }
0x1f: {  	[tilespmem:$0x890] =	vst v1  }
0x20: {  	[tilespmem:$0x8A0] =	vst v1  }
0x21: {  	[tilespmem:$0x8B0] =	vst v1  }
0x22: {  	[tilespmem:$0x8C0] =	vst v1  }
0x23: {  	[tilespmem:$0x8D0] =	vst v1  }
0x24: {  	[tilespmem:$0x8E0] =	vst v1  }
0x25: {  	[tilespmem:$0x8F0] =	vst v1  }
0x26: {  	[tilespmem:$0x900] =	vst v1  }
0x27: {  	[tilespmem:$0x910] =	vst v1  }
0x28: {  	[tilespmem:$0x920] =	vst v1  }
0x29: {  	[tilespmem:$0x930] =	vst v1  }
0x2a: {  	[tilespmem:$0x940] =	vst v1  }
0x2b: {  	[tilespmem:$0x950] =	vst v1  }
0x2c: {  	[tilespmem:$0x960] =	vst v1  }
0x2d: {  	[tilespmem:$0x970] =	vst v1  }
0x2e: {  	[tilespmem:$0x980] =	vst v1  }
0x2f: {  	[tilespmem:$0x990] =	vst v1  }
0x30: {  	[tilespmem:$0x9A0] =	vst v1  }
0x31: {  	[tilespmem:$0x9B0] =	vst v1  }
0x32: {  	[tilespmem:$0x9C0] =	vst v1  }
0x33: {  	[tilespmem:$0x9D0] =	vst v1  }
0x34: {  	[tilespmem:$0x9E0] =	vst v1  }
0x35: {  	[tilespmem:$0x9F0] =	vst v1  }
0x36: {  	[tilespmem:$0xA00] =	vst v1  }
0x37: {  	[tilespmem:$0xA10] =	vst v1  }
0x38: {  	[tilespmem:$0xA20] =	vst v1  }
0x39: {  	[tilespmem:$0xA30] =	vst v1  }
0x3a: {  	[tilespmem:$0xA40] =	vst v1  }
0x3b: {  	[tilespmem:$0xA50] =	vst v1  }
0x3c: {  	[tilespmem:$0xA60] =	vst v1  }
0x3d: {  	[tilespmem:$0xA70] =	vst v1  }
0x3e: {  	[tilespmem:$0xA80] =	vst v1  }
0x3f: {  	[tilespmem:$0xA90] =	vst v1  }
0x40: {  	[tilespmem:$0xAA0] =	vst v1  }
0x41: {  	[tilespmem:$0xAB0] =	vst v1  }
0x42: {  	[tilespmem:$0xAC0] =	vst v1  }
0x43: {  	[tilespmem:$0xAD0] =	vst v1  }
0x44: {  	[tilespmem:$0xAE0] =	vst v1  }
0x45: {  	s9 =	simm.s32 $0x880;
	[tilespmem:$0xAF0] =	vst v1  }
0x46: {  	[spmem:s6] =	stream.linear.scatter [tilespmem:s9], [sflag:$0x3], $0x280, $0x38;
	[tilespmem:$0xD80] =	vst v63  }
0x47: {  	_ =	swait.ge [sflag:s12], $0x280  }
0x48: {  	[sflag:s12] =	ssyncset.done $0x0  }
0x49: {  	[sflag:s12] =	ssyncadd.s32 $0xFFFFFD80  }
0x4a: {  	[bflag:$0x0] =	sbarrier.arrive $0xFFFF  }
0x4b: {  	_ =	swait.ge [sflag:s13], $0x400  }
0x4c: {  	[sflag:s13] =	ssyncset.done $0x0  }
0x4d: {  	s9 =	sadd.s32 $0x0, s10;
	[sflag:s13] =	ssyncadd.s32 $0xFFFFFC00  }
0x4e: {  	[tilespmem:s14], [sflag:$0x1] =	stream.linear.gather [hbm4b:s9+s4], $0x400, $0x38;
	[tilespmem:$0xD80] =	vst v63  }
0x4f: {  	_ = 	snop  }
0x50: {  	[spmem:s3] =	stream.indirect.scatter.add.f32 [tilespmem:s16], [sflag:$0x2], $0x1, s4, s15, $0xb8;
	[tilespmem:$0xD80] =	vst v63  }
0x51: {  	_ = 	snop  }
0x52: {  	[spmem:s3] =	stream.indirect.scatter.add.f32 [tilespmem:s16], [sflag:$0x2], $0x1, s15, s15, $0xb8;
	[tilespmem:$0xD80] =	vst v63  }
0x53: {  	_ = 	snop  }
0x54: {  	[spmem:s3] =	stream.indirect.scatter.add.f32 [tilespmem:s16], [sflag:$0x2], $0x1, s17, s15, $0xb8;
	[tilespmem:$0xD80] =	vst v63  }
0x55: {  	_ = 	snop  }
0x56: {  	[spmem:s3] =	stream.indirect.scatter.add.f32 [tilespmem:s16], [sflag:$0x2], $0x1, s18, s15, $0xb8;
	[tilespmem:$0xD80] =	vst v63  }
0x57: {  	_ = 	snop  }
0x58: {  	[spmem:s3] =	stream.indirect.scatter.add.f32 [tilespmem:s16], [sflag:$0x2], $0x1, s19, s15, $0xb8;
	[tilespmem:$0xD80] =	vst v63  }
0x59: {  	_ = 	snop  }
0x5a: {  	[spmem:s3] =	stream.indirect.scatter.add.f32 [tilespmem:s16], [sflag:$0x2], $0x1, s20, s15, $0xb8;
	[tilespmem:$0xD80] =	vst v63  }
0x5b: {  	_ = 	snop  }
0x5c: {  	[spmem:s3] =	stream.indirect.scatter.add.f32 [tilespmem:s16], [sflag:$0x2], $0x1, s21, s15, $0xb8;
	[tilespmem:$0xD80] =	vst v63  }
0x5d: {  	_ = 	snop  }
0x5e: {  	[spmem:s3] =	stream.indirect.scatter.add.f32 [tilespmem:s16], [sflag:$0x2], $0x1, s22, s15, $0xb8;
	[tilespmem:$0xD80] =	vst v63  }
0x5f: {  	_ =	swait.ge [sflag:s23], $0x80  }
0x60: {  	[sflag:s23] =	ssyncset.done $0x0  }
0x61: {  	[sflag:s23] =	ssyncadd.s32 $0xFFFFFF80  }
0x62: {  	_ =	swait.ge [sflag:s23], $0x80  }
0x63: {  	[sflag:s23] =	ssyncset.done $0x0  }
0x64: {  	[sflag:s23] =	ssyncadd.s32 $0xFFFFFF80  }
0x65: {  	_ =	swait.ge [sflag:s23], $0x80  }
0x66: {  	[sflag:s23] =	ssyncset.done $0x0  }
0x67: {  	[sflag:s23] =	ssyncadd.s32 $0xFFFFFF80  }
0x68: {  	_ =	swait.ge [sflag:s23], $0x80  }
0x69: {  	[sflag:s23] =	ssyncset.done $0x0  }
0x6a: {  	[sflag:s23] =	ssyncadd.s32 $0xFFFFFF80  }
0x6b: {  	_ =	swait.ge [sflag:s23], $0x80  }
0x6c: {  	[sflag:s23] =	ssyncset.done $0x0  }
0x6d: {  	[sflag:s23] =	ssyncadd.s32 $0xFFFFFF80  }
0x6e: {  	_ =	swait.ge [sflag:s23], $0x80  }
0x6f: {  	[sflag:s23] =	ssyncset.done $0x0  }
0x70: {  	[sflag:s23] =	ssyncadd.s32 $0xFFFFFF80  }
0x71: {  	_ =	swait.ge [sflag:s23], $0x80  }
0x72: {  	[sflag:s23] =	ssyncset.done $0x0  }
0x73: {  	[sflag:s23] =	ssyncadd.s32 $0xFFFFFF80  }
0x74: {  	_ =	swait.ge [sflag:s23], $0x80  }
0x75: {  	[sflag:s23] =	ssyncset.done $0x0  }
0x76: {  	[sflag:s23] =	ssyncadd.s32 $0xFFFFFF80  }
0x77: {  	_ =	swait.ge [sflag:s13], $0x400  }
0x78: {  	s11 =	sshrl.u32 s0, $0x3;
	[sflag:s13] =	ssyncset.done $0x0  }
0x79: {  	s9 =	sadd.s32 s1, s11;
	[sflag:s13] =	ssyncadd.s32 $0xFFFFFC00  }
0x7a: {  	[tilespmem:s4], [sflag:$0x1] =	stream.linear.gather [hbm4b:s9+s4], $0x400, $0x38;
	[tilespmem:$0xD80] =	vst v63  }
0x7b: {  	_ = 	snop  }
0x7c: {  	[spmem:s3] =	stream.indirect.scatter.add.f32 [tilespmem:s16], [sflag:$0x2], $0x1, s14, s15, $0xb8;
	[tilespmem:$0xD80] =	vst v63  }
0x7d: {  	_ = 	snop  }
0x7e: {  	[spmem:s3] =	stream.indirect.scatter.add.f32 [tilespmem:s16], [sflag:$0x2], $0x1, s24, s15, $0xb8;
	[tilespmem:$0xD80] =	vst v63  }
0x7f: {  	_ = 	snop  }
0x80: {  	[spmem:s3] =	stream.indirect.scatter.add.f32 [tilespmem:s16], [sflag:$0x2], $0x1, s25, s15, $0xb8;
	[tilespmem:$0xD80] =	vst v63  }
0x81: {  	_ = 	snop  }
0x82: {  	[spmem:s3] =	stream.indirect.scatter.add.f32 [tilespmem:s16], [sflag:$0x2], $0x1, s26, s15, $0xb8;
	[tilespmem:$0xD80] =	vst v63  }
0x83: {  	_ = 	snop  }
0x84: {  	[spmem:s3] =	stream.indirect.scatter.add.f32 [tilespmem:s16], [sflag:$0x2], $0x1, s28, s15, $0xb8;
	[tilespmem:$0xD80] =	vst v63  }
0x85: {  	_ = 	snop  }
0x86: {  	[spmem:s3] =	stream.indirect.scatter.add.f32 [tilespmem:s16], [sflag:$0x2], $0x1, s29, s15, $0xb8;
	[tilespmem:$0xD80] =	vst v63  }
0x87: {  	_ = 	snop  }
0x88: {  	[spmem:s3] =	stream.indirect.scatter.add.f32 [tilespmem:s16], [sflag:$0x2], $0x1, s30, s15, $0xb8;
	[tilespmem:$0xD80] =	vst v63  }
0x89: {  	_ = 	snop  }
0x8a: {  	[spmem:s3] =	stream.indirect.scatter.add.f32 [tilespmem:s16], [sflag:$0x2], $0x1, s31, s15, $0xb8;
	[tilespmem:$0xD80] =	vst v63  }
0x8b: {  	_ =	swait.ge [sflag:s23], $0x80  }
0x8c: {  	[sflag:s23] =	ssyncset.done $0x0  }
0x8d: {  	[sflag:s23] =	ssyncadd.s32 $0xFFFFFF80  }
0x8e: {  	_ =	swait.ge [sflag:s23], $0x80  }
0x8f: {  	[sflag:s23] =	ssyncset.done $0x0  }
0x90: {  	[sflag:s23] =	ssyncadd.s32 $0xFFFFFF80  }
0x91: {  	_ =	swait.ge [sflag:s23], $0x80  }
0x92: {  	[sflag:s23] =	ssyncset.done $0x0  }
0x93: {  	[sflag:s23] =	ssyncadd.s32 $0xFFFFFF80  }
0x94: {  	_ =	swait.ge [sflag:s23], $0x80  }
0x95: {  	[sflag:s23] =	ssyncset.done $0x0  }
0x96: {  	[sflag:s23] =	ssyncadd.s32 $0xFFFFFF80  }
0x97: {  	_ =	swait.ge [sflag:s23], $0x80  }
0x98: {  	[sflag:s23] =	ssyncset.done $0x0  }
0x99: {  	[sflag:s23] =	ssyncadd.s32 $0xFFFFFF80  }
0x9a: {  	_ =	swait.ge [sflag:s23], $0x80  }
0x9b: {  	[sflag:s23] =	ssyncset.done $0x0  }
0x9c: {  	[sflag:s23] =	ssyncadd.s32 $0xFFFFFF80  }
0x9d: {  	_ =	swait.ge [sflag:s23], $0x80  }
0x9e: {  	[sflag:s23] =	ssyncset.done $0x0  }
0x9f: {  	[sflag:s23] =	ssyncadd.s32 $0xFFFFFF80  }
0xa0: {  	_ =	swait.ge [sflag:s23], $0x80  }
0xa1: {  	s11 =	simm.s32 $0x100;
	s9 =	smov.u32 s0;
	[sflag:s23] =	ssyncset.done $0x0  }
.LBB2_2:
0xa2: {  	p0 =	sne.s32 s11, $0x400;
	[sflag:s23] =	ssyncadd.s32 $0xFFFFFF80;
	s9 =	sadd.s32 $0x800, s9  }
0xa3: {  	s5 =	smov.u32 s11;
	s11 =	sadd.s32 $0x100, s11;
	_ =	swait.ge [sflag:s13], $0x400  }
0xa4: {  	[sflag:s13] =	ssyncset.done $0x0  }
0xa5: {  	s5 =	sadd.s32 s5, s10;
	[sflag:s13] =	ssyncadd.s32 $0xFFFFFC00  }
0xa6: {  	[tilespmem:s14], [sflag:$0x1] =	stream.linear.gather [hbm4b:s5+s4], $0x400, $0x38;
	[tilespmem:$0xD80] =	vst v63  }
0xa7: {  	_ = 	snop  }
0xa8: {  	[spmem:s3] =	stream.indirect.scatter.add.f32 [tilespmem:s16], [sflag:$0x2], $0x1, s4, s15, $0xb8;
	[tilespmem:$0xD80] =	vst v63  }
0xa9: {  	_ = 	snop  }
0xaa: {  	[spmem:s3] =	stream.indirect.scatter.add.f32 [tilespmem:s16], [sflag:$0x2], $0x1, s15, s15, $0xb8;
	[tilespmem:$0xD80] =	vst v63  }
0xab: {  	_ = 	snop  }
0xac: {  	[spmem:s3] =	stream.indirect.scatter.add.f32 [tilespmem:s16], [sflag:$0x2], $0x1, s17, s15, $0xb8;
	[tilespmem:$0xD80] =	vst v63  }
0xad: {  	_ = 	snop  }
0xae: {  	[spmem:s3] =	stream.indirect.scatter.add.f32 [tilespmem:s16], [sflag:$0x2], $0x1, s18, s15, $0xb8;
	[tilespmem:$0xD80] =	vst v63  }
0xaf: {  	_ = 	snop  }
0xb0: {  	[spmem:s3] =	stream.indirect.scatter.add.f32 [tilespmem:s16], [sflag:$0x2], $0x1, s19, s15, $0xb8;
	[tilespmem:$0xD80] =	vst v63  }
0xb1: {  	_ = 	snop  }
0xb2: {  	[spmem:s3] =	stream.indirect.scatter.add.f32 [tilespmem:s16], [sflag:$0x2], $0x1, s20, s15, $0xb8;
	[tilespmem:$0xD80] =	vst v63  }
0xb3: {  	_ = 	snop  }
0xb4: {  	[spmem:s3] =	stream.indirect.scatter.add.f32 [tilespmem:s16], [sflag:$0x2], $0x1, s21, s15, $0xb8;
	[tilespmem:$0xD80] =	vst v63  }
0xb5: {  	_ = 	snop  }
0xb6: {  	[spmem:s3] =	stream.indirect.scatter.add.f32 [tilespmem:s16], [sflag:$0x2], $0x1, s22, s15, $0xb8;
	[tilespmem:$0xD80] =	vst v63  }
0xb7: {  	_ =	swait.ge [sflag:s23], $0x80  }
0xb8: {  	[sflag:s23] =	ssyncset.done $0x0  }
0xb9: {  	[sflag:s23] =	ssyncadd.s32 $0xFFFFFF80  }
0xba: {  	_ =	swait.ge [sflag:s23], $0x80  }
0xbb: {  	[sflag:s23] =	ssyncset.done $0x0  }
0xbc: {  	[sflag:s23] =	ssyncadd.s32 $0xFFFFFF80  }
0xbd: {  	_ =	swait.ge [sflag:s23], $0x80  }
0xbe: {  	[sflag:s23] =	ssyncset.done $0x0  }
0xbf: {  	[sflag:s23] =	ssyncadd.s32 $0xFFFFFF80  }
0xc0: {  	_ =	swait.ge [sflag:s23], $0x80  }
0xc1: {  	[sflag:s23] =	ssyncset.done $0x0  }
0xc2: {  	[sflag:s23] =	ssyncadd.s32 $0xFFFFFF80  }
0xc3: {  	_ =	swait.ge [sflag:s23], $0x80  }
0xc4: {  	[sflag:s23] =	ssyncset.done $0x0  }
0xc5: {  	[sflag:s23] =	ssyncadd.s32 $0xFFFFFF80  }
0xc6: {  	_ =	swait.ge [sflag:s23], $0x80  }
0xc7: {  	[sflag:s23] =	ssyncset.done $0x0  }
0xc8: {  	[sflag:s23] =	ssyncadd.s32 $0xFFFFFF80  }
0xc9: {  	_ =	swait.ge [sflag:s23], $0x80  }
0xca: {  	[sflag:s23] =	ssyncset.done $0x0  }
0xcb: {  	[sflag:s23] =	ssyncadd.s32 $0xFFFFFF80  }
0xcc: {  	_ =	swait.ge [sflag:s23], $0x80  }
0xcd: {  	[sflag:s23] =	ssyncset.done $0x0  }
0xce: {  	[sflag:s23] =	ssyncadd.s32 $0xFFFFFF80  }
0xcf: {  	_ =	swait.ge [sflag:s13], $0x400  }
0xd0: {  	s5 =	sshrl.u32 s9, $0x3;
	[sflag:s13] =	ssyncset.done $0x0  }
0xd1: {  	s5 =	sadd.s32 s1, s5;
	[sflag:s13] =	ssyncadd.s32 $0xFFFFFC00  }
0xd2: {  	[tilespmem:s4], [sflag:$0x1] =	stream.linear.gather [hbm4b:s5+s4], $0x400, $0x38;
	[tilespmem:$0xD80] =	vst v63  }
0xd3: {  	_ = 	snop  }
0xd4: {  	[spmem:s3] =	stream.indirect.scatter.add.f32 [tilespmem:s16], [sflag:$0x2], $0x1, s14, s15, $0xb8;
	[tilespmem:$0xD80] =	vst v63  }
0xd5: {  	_ = 	snop  }
0xd6: {  	[spmem:s3] =	stream.indirect.scatter.add.f32 [tilespmem:s16], [sflag:$0x2], $0x1, s24, s15, $0xb8;
	[tilespmem:$0xD80] =	vst v63  }
0xd7: {  	_ = 	snop  }
0xd8: {  	[spmem:s3] =	stream.indirect.scatter.add.f32 [tilespmem:s16], [sflag:$0x2], $0x1, s25, s15, $0xb8;
	[tilespmem:$0xD80] =	vst v63  }
0xd9: {  	_ = 	snop  }
0xda: {  	[spmem:s3] =	stream.indirect.scatter.add.f32 [tilespmem:s16], [sflag:$0x2], $0x1, s26, s15, $0xb8;
	[tilespmem:$0xD80] =	vst v63  }
0xdb: {  	_ = 	snop  }
0xdc: {  	[spmem:s3] =	stream.indirect.scatter.add.f32 [tilespmem:s16], [sflag:$0x2], $0x1, s28, s15, $0xb8;
	[tilespmem:$0xD80] =	vst v63  }
0xdd: {  	_ = 	snop  }
0xde: {  	[spmem:s3] =	stream.indirect.scatter.add.f32 [tilespmem:s16], [sflag:$0x2], $0x1, s29, s15, $0xb8;
	[tilespmem:$0xD80] =	vst v63  }
0xdf: {  	_ = 	snop  }
0xe0: {  	[spmem:s3] =	stream.indirect.scatter.add.f32 [tilespmem:s16], [sflag:$0x2], $0x1, s30, s15, $0xb8;
	[tilespmem:$0xD80] =	vst v63  }
0xe1: {  	_ = 	snop  }
0xe2: {  	[spmem:s3] =	stream.indirect.scatter.add.f32 [tilespmem:s16], [sflag:$0x2], $0x1, s31, s15, $0xb8;
	[tilespmem:$0xD80] =	vst v63  }
0xe3: {  	_ =	swait.ge [sflag:s23], $0x80  }
0xe4: {  	[sflag:s23] =	ssyncset.done $0x0  }
0xe5: {  	[sflag:s23] =	ssyncadd.s32 $0xFFFFFF80  }
0xe6: {  	_ =	swait.ge [sflag:s23], $0x80  }
0xe7: {  	[sflag:s23] =	ssyncset.done $0x0  }
0xe8: {  	[sflag:s23] =	ssyncadd.s32 $0xFFFFFF80  }
0xe9: {  	_ =	swait.ge [sflag:s23], $0x80  }
0xea: {  	[sflag:s23] =	ssyncset.done $0x0  }
0xeb: {  	[sflag:s23] =	ssyncadd.s32 $0xFFFFFF80  }
0xec: {  	_ =	swait.ge [sflag:s23], $0x80  }
0xed: {  	[sflag:s23] =	ssyncset.done $0x0  }
0xee: {  	[sflag:s23] =	ssyncadd.s32 $0xFFFFFF80  }
0xef: {  	_ =	swait.ge [sflag:s23], $0x80  }
0xf0: {  	[sflag:s23] =	ssyncset.done $0x0  }
0xf1: {  	[sflag:s23] =	ssyncadd.s32 $0xFFFFFF80  }
0xf2: {  	_ =	swait.ge [sflag:s23], $0x80  }
0xf3: {  	[sflag:s23] =	ssyncset.done $0x0  }
0xf4: {  	[sflag:s23] =	ssyncadd.s32 $0xFFFFFF80  }
.Ltmp0:
0xf5: {  	_ =	swait.ge [sflag:s23], $0x80;
	(pc) =	sbr.rel @p0 .LBB2_2-.Ltmp0, $4  }
0xf6: {  	[sflag:s23] =	ssyncset.done $0x0  }
0xf7: {  	[sflag:s23] =	ssyncadd.s32 $0xFFFFFF80  }
0xf8: {  	_ =	swait.ge [sflag:s23], $0x80  }
0xf9: {  	[sflag:s23] =	ssyncset.done $0x0  }
0xfa: {  	[sflag:s23] =	ssyncadd.s32 $0xFFFFFF80  }
0xfb: {  	s5 =	stileid.u32;
	_ =	swait.ge [sflag:s13], $0x400  }
0xfc: {  	s9 =	sshrl.u32 s6, $0x3;
	s2 =	sadd.s32 $0x1, s2;
	[sflag:s13] =	ssyncset.done $0x0  }
0xfd: {  	s5 =	sshll.u32 s5, $0x6;
	p0 =	sne.s32 s2, s8;
	[sflag:s13] =	ssyncadd.s32 $0xFFFFFC00  }
.Ltmp1:
0xfe: {  	s5 =	sor.u32 $0x1C03, s5;
	[bflag:$0x0] =	sbarrier.arrive $0xFFFF;
	(pc) =	sbr.rel @p0 .LBB2_1-.Ltmp1, $4  }
0xff: {  	[hbm:s7], [sflag:s5] =	dma.local [spmem:s9], $0x50  }
0x100: {  	_ =	swait.ge [sflag:s12], $0x50  }
0x101: {  	[sflag:s12] =	ssyncset.done $0x0  }
0x102: {  	[sflag:s12] =	ssyncadd.s32 $0xFFFFFFB0  }
0x103: {  	_ =	sfence.sel $0x180000  }
0x104: {  	[bflag:$0x0] =	sbarrier.arrive $0xFFFF  }
0x105: {  	_ =	strace $0x90000047  }
0x106: {  	s0 =	stileid.u32;
	[bflag:$0x2] =	sbarrier.arrive $0xFFFF  }
0x107: {  	p0 =	sne.s32 s0, $0x0;
	s0 =	rddreg [dreg:$0x3]  }
0x108: {  	s0 =	sadd.s32 @!p0 $0x100000, s0  }
0x109: {  	[sflag:s0] =	ssyncadd.tile.s32 @!p0 $0x1;
	_ =	shalt  }
.Lfunc_end2:
_tile_overlayer_lowered:
.L_overlay_start_2:
0x10a: {  	(tag) =	ssettag $0x2  }
0x10b: {  	s0 =	rddreg [dreg:$0x0];
	s2 =	stileid.u32  }
0x10c: {  	s1 =	rddreg [dreg:$0x1];
	p0 =	sne.s32 s2, $0x0  }
0x10d: {  	s3 =	rddreg [dreg:$0x2];
	[bflag:$0x3] =	sbarrier.arrive $0xFFFF;
	s2 =	simm.s32 @!p0 $0x1C03  }
0x10e: {  	[timem:s3], [sflag:s2] =	dma.local @!p0 [hbm:s0], s1  }
0x10f: {  	s0 =	simm.s32 @!p0 $0x3  }
0x110: {  	_ =	swait.ge @!p0 [sflag:s0], s1  }
0x111: {  	s1 =	ssub.s32 @!p0 $0x0, s1;
	[sflag:s0] =	ssyncset.done @!p0 $0x0  }
0x112: {  	[sflag:s0] =	ssyncadd.s32 @!p0 s1  }
0x113: {  	[bflag:$0x3] =	sbarrier.arrive $0xFFFF  }
0x114: {  	_ =	shalt  }

</sc_bundles>
